<compile_context>
chip_gen: v7x
topology: tpu7x:2x2x1
jax: 0.10.2.dev20260603
libtpu: 0.0.44.dev20260713+nightly
codegen_flags: <defaults>
</compile_context>

<pallas_src>
import functools

import jax
import jax.numpy as jnp
from jax import lax
from jax.experimental import pallas as pl
from jax.experimental.pallas import tpu as pltpu
from jax.experimental.pallas import tpu_sc as plsc

N = 10000
D = 128
RELW = 32
NSUB = 16
NCORE = 2
NWORK = NCORE * NSUB
EPW = 10000
K = 80
NBATCH = EPW // K
ROWS_A = 624


def _sc_aggregate(x, src, dst, rel, relaug, zg, zr):
    mesh = plsc.VectorSubcoreMesh(core_axis_name="c", subcore_axis_name="s")

    @functools.partial(
        pl.kernel,
        mesh=mesh,
        compiler_params=pltpu.CompilerParams(use_tc_tiling_on_sc=False),
        out_type=[
            jax.ShapeDtypeStruct((NCORE * N, D), jnp.float32),
            jax.ShapeDtypeStruct((NCORE * N, RELW), jnp.float32),
        ],
        scratch_types=[
            pltpu.VMEM_SHARED((N, D), jnp.float32),
            pltpu.VMEM_SHARED((N, RELW), jnp.float32),
            [pltpu.VMEM((K,), jnp.int32)] * 3,
            [pltpu.VMEM((K,), jnp.int32)] * 3,
            [pltpu.VMEM((K,), jnp.int32)] * 3,
            [pltpu.VMEM((K,), jnp.int32)] * 3,
            pltpu.VMEM((K, D), jnp.float32),
            pltpu.VMEM((K, D), jnp.float32),
            pltpu.VMEM((K, RELW), jnp.float32),
            pltpu.VMEM((K, RELW), jnp.float32),
            [pltpu.SemaphoreType.DMA] * 10,
        ],
    )
    def k(x_hbm, src_hbm, dst_hbm, rel_hbm, relaug_hbm, zg_hbm, zr_hbm,
          gout_hbm, rout_hbm, g_sp, r_sp, iA, iB, iC, iD,
          xa, xb, ra, rb, sems):
        (semA, semB, semC, semD, semxa, semxb, semra, semrb,
         semg, semr2) = sems
        c = lax.axis_index("c")
        s = lax.axis_index("s")
        wid = c * NSUB + s
        rbase = s * ROWS_A
        ebase = wid * EPW

        def fire_idx(j, bufs, sem):
            off = ebase + j * K
            pltpu.async_copy(src_hbm.at[pl.ds(off, K)], bufs[0], sem)
            pltpu.async_copy(dst_hbm.at[pl.ds(off, K)], bufs[1], sem)
            pltpu.async_copy(rel_hbm.at[pl.ds(off, K)], bufs[2], sem)

        def drain_idx(bufs, sem):
            for b in bufs:
                pltpu.make_async_copy(src_hbm.at[pl.ds(0, K)], b,
                                      sem).wait()

        def fire_rows(bufs, xbuf, rbuf, semx, semr):
            pltpu.async_copy(x_hbm.at[bufs[0]], xbuf, semx)
            pltpu.async_copy(relaug_hbm.at[bufs[2]], rbuf, semr)

        def drain_rows(bufs, xbuf, rbuf, semx, semr):
            pltpu.make_async_copy(x_hbm.at[bufs[0]], xbuf, semx).wait()
            pltpu.make_async_copy(relaug_hbm.at[bufs[2]], rbuf,
                                  semr).wait()

        def scat(bufs, xbuf, rbuf):
            pltpu.async_copy(xbuf, g_sp.at[bufs[1]], semg, add=True)
            pltpu.async_copy(rbuf, r_sp.at[bufs[1]], semr2, add=True)
            pltpu.make_async_copy(xbuf, g_sp.at[bufs[1]], semg).wait()
            pltpu.make_async_copy(rbuf, r_sp.at[bufs[1]], semr2).wait()

        fire_idx(0, iA, semA)
        fire_idx(1, iB, semB)
        fire_idx(2, iC, semC)
        fire_idx(3, iD, semD)

        pltpu.sync_copy(zg_hbm.at[pl.ds(0, ROWS_A)],
                        g_sp.at[pl.ds(rbase, ROWS_A)])
        pltpu.sync_copy(zr_hbm.at[pl.ds(0, ROWS_A)],
                        r_sp.at[pl.ds(rbase, ROWS_A)])

        @pl.when(s == NSUB - 1)
        def _():
            tail = NSUB * ROWS_A
            pltpu.sync_copy(zg_hbm.at[pl.ds(0, N - tail)],
                            g_sp.at[pl.ds(tail, N - tail)])
            pltpu.sync_copy(zr_hbm.at[pl.ds(0, N - tail)],
                            r_sp.at[pl.ds(tail, N - tail)])

        drain_idx(iA, semA)
        fire_rows(iA, xa, ra, semxa, semra)
        plsc.subcore_barrier()

        def body(u, carry):
            t0 = 4 * u
            drain_idx(iB, semB)
            fire_rows(iB, xb, rb, semxb, semrb)
            drain_rows(iA, xa, ra, semxa, semra)
            scat(iA, xa, ra)
            fire_idx(jnp.minimum(t0 + 4, NBATCH - 1), iA, semA)
            drain_idx(iC, semC)
            fire_rows(iC, xa, ra, semxa, semra)
            drain_rows(iB, xb, rb, semxb, semrb)
            scat(iB, xb, rb)
            fire_idx(jnp.minimum(t0 + 5, NBATCH - 1), iB, semB)
            drain_idx(iD, semD)
            fire_rows(iD, xb, rb, semxb, semrb)
            drain_rows(iC, xa, ra, semxa, semra)
            scat(iC, xa, ra)
            fire_idx(jnp.minimum(t0 + 6, NBATCH - 1), iC, semC)
            drain_idx(iA, semA)
            fire_rows(iA, xa, ra, semxa, semra)
            drain_rows(iD, xb, rb, semxb, semrb)
            scat(iD, xb, rb)
            fire_idx(jnp.minimum(t0 + 7, NBATCH - 1), iD, semD)
            return carry

        lax.fori_loop(0, (NBATCH - 1) // 4, body, 0)
        drain_idx(iB, semB)
        drain_idx(iC, semC)
        drain_idx(iD, semD)
        drain_rows(iA, xa, ra, semxa, semra)
        scat(iA, xa, ra)
        plsc.subcore_barrier()

        obase = c * N + rbase
        pltpu.sync_copy(g_sp.at[pl.ds(rbase, ROWS_A)],
                        gout_hbm.at[pl.ds(obase, ROWS_A)])
        pltpu.sync_copy(r_sp.at[pl.ds(rbase, ROWS_A)],
                        rout_hbm.at[pl.ds(obase, ROWS_A)])

        @pl.when(s == NSUB - 1)
        def _():
            tail = NSUB * ROWS_A
            pltpu.sync_copy(g_sp.at[pl.ds(tail, N - tail)],
                            gout_hbm.at[pl.ds(c * N + tail, N - tail)])
            pltpu.sync_copy(r_sp.at[pl.ds(tail, N - tail)],
                            rout_hbm.at[pl.ds(c * N + tail, N - tail)])

    return k(x, src, dst, rel, relaug, zg, zr)


def _dense(x, gout, rout, W_msg, b_msg, W_self, b_self, W_neigh, b_neigh):
    BN = 2000
    NB = N // BN
    MSG_IN = W_msg.shape[1]

    def dotT(a, w):
        return lax.dot_general(a, w, (((1,), (1,)), ((), ())),
                               preferred_element_type=jnp.float32)

    def body(x_r, g0_r, g1_r, r0_r, r1_r, wm_r, bm_r, ws_r, bs_r, wn_r,
             bn_r, o_r):
        G = g0_r[...] + g1_r[...]
        R = r0_r[...] + r1_r[...]
        deg = R[:, 16:17]
        wm = wm_r[...]
        pre = (dotT(G, wm[:, :D]) + dotT(R[:, :16], wm[:, D:])
               + deg * bm_r[...])
        agg = pre / jnp.maximum(deg, 1.0)
        out = (dotT(x_r[...], ws_r[...]) + dotT(agg, wn_r[...])
               + bs_r[...] + bn_r[...])
        o_r[...] = jnp.maximum(out, 0.0)

    full = pl.BlockSpec((D, D), lambda i: (0, 0))
    blk = pl.BlockSpec((BN, D), lambda i: (i, 0))
    blkr = pl.BlockSpec((BN, RELW), lambda i: (i, 0))
    vec = pl.BlockSpec((1, D), lambda i: (0, 0))
    return pl.pallas_call(
        body,
        grid=(NB,),
        in_specs=[blk,
                  blk, pl.BlockSpec((BN, D), lambda i: (NB + i, 0)),
                  blkr, pl.BlockSpec((BN, RELW), lambda i: (NB + i, 0)),
                  pl.BlockSpec((D, MSG_IN), lambda i: (0, 0)),
                  vec, full, vec, full, vec],
        out_specs=blk,
        out_shape=jax.ShapeDtypeStruct((N, D), jnp.float32),
    )(x, gout, gout, rout, rout, W_msg, b_msg.reshape(1, D),
      W_self, b_self.reshape(1, D), W_neigh, b_neigh.reshape(1, D))


def kernel(x, edge_src, edge_dst, rel_ids, rel_emb, W_msg, b_msg,
           W_self, b_self, W_neigh, b_neigh):
    src = edge_src.astype(jnp.int32)
    dst = edge_dst.astype(jnp.int32)
    rel = rel_ids.astype(jnp.int32)
    nrel = rel_emb.shape[0]
    relaug = jnp.concatenate(
        [rel_emb.astype(jnp.float32),
         jnp.ones((nrel, 1), jnp.float32),
         jnp.zeros((nrel, RELW - rel_emb.shape[1] - 1), jnp.float32)],
        axis=1)
    zg = jnp.zeros((640, D), jnp.float32)
    zr = jnp.zeros((640, RELW), jnp.float32)

    gout, rout = _sc_aggregate(x, src, dst, rel, relaug, zg, zr)
    return _dense(x, gout, rout, W_msg, b_msg, W_self, b_self,
                  W_neigh, b_neigh)

# --- scband reference (transcript-rebuilt; emitter-appended) ---
"""Pipeline reference for scband-relation-sagelayer-14216341749897 (READ-ONLY COPY).

The authoritative reference and input builder live on the scoring server;
editing this copy changes nothing except your own understanding.
"""

import jax, jax.numpy as jnp
import numpy as np

N = 10000
E = 320000
D_IN = 128
D_OUT = 128
REL_DIM = 16
NUM_REL = 64


def setup_inputs(seed: int = 0) -> dict:
    key = jax.random.key(seed)
    ks = [jax.random.fold_in(key, i) for i in range(12)]
    x = jax.random.normal(ks[0], (N, D_IN), dtype=jnp.float32)
    edge_src = jax.random.randint(ks[1], (E,), 0, N, dtype=jnp.int64)
    edge_dst = jax.random.randint(ks[2], (E,), 0, N, dtype=jnp.int64)
    rel_ids = jax.random.randint(ks[3], (E,), 0, NUM_REL, dtype=jnp.int64)
    msg_in = D_IN + REL_DIM
    rel_emb = jax.random.normal(ks[4], (NUM_REL, REL_DIM), dtype=jnp.float32)
    W_msg = jax.random.normal(ks[5], (D_OUT, msg_in), dtype=jnp.float32) / np.sqrt(msg_in)
    b_msg = jnp.zeros((D_OUT,), dtype=jnp.float32)
    W_self = jax.random.normal(ks[6], (D_OUT, D_IN), dtype=jnp.float32) / np.sqrt(D_IN)
    b_self = jnp.zeros((D_OUT,), dtype=jnp.float32)
    W_neigh = jax.random.normal(ks[7], (D_OUT, D_OUT), dtype=jnp.float32) / np.sqrt(D_OUT)
    b_neigh = jnp.zeros((D_OUT,), dtype=jnp.float32)
    return {"x": x, "edge_src": edge_src, "edge_dst": edge_dst, "rel_ids": rel_ids,
            "rel_emb": rel_emb, "W_msg": W_msg, "b_msg": b_msg,
            "W_self": W_self, "b_self": b_self, "W_neigh": W_neigh, "b_neigh": b_neigh}


def reference(x, edge_src, edge_dst, rel_ids, rel_emb, W_msg, b_msg, W_self, b_self, W_neigh, b_neigh):
    n_nodes = x.shape[0]
    # relation embedding lookup (gather)
    relation = jnp.take(rel_emb, rel_ids, axis=0)
    # per-edge message: gather source features, concat relation embedding, linear
    src_feat = jnp.take(x, edge_src, axis=0)
    msg_in = jnp.concatenate([src_feat, relation], axis=-1)
    msg = msg_in @ W_msg.T + b_msg
    # scatter-add aggregation by destination node
    agg = jnp.zeros((n_nodes, msg.shape[1]), dtype=x.dtype).at[edge_dst].add(msg)
    deg = jnp.zeros((n_nodes, 1), dtype=x.dtype).at[edge_dst].add(jnp.ones((edge_dst.shape[0], 1), dtype=x.dtype))
    agg = agg / jnp.clip(deg, 1.0, None)
    out = (x @ W_self.T + b_self) + (agg @ W_neigh.T + b_neigh)
    return jax.nn.relu(out)

if __name__ == "__main__":
    import jax
    _d = setup_inputs()
    print(jax.jit(kernel)(*tuple(_d.values())))

</pallas_src>

<mosaic_0001>
#map = affine_map<(d0, d1) -> (0, 0)>
#map1 = affine_map<(d0, d1) -> (0)>
module attributes {stable_mosaic.version = 14 : i64} {
  func.func @k(%arg0: i32, %arg1: i32, %arg2: memref<10000x128xf32, #tpu.memory_space<hbm>>, %arg3: memref<320000xi32, #tpu.memory_space<hbm>>, %arg4: memref<320000xi32, #tpu.memory_space<hbm>>, %arg5: memref<320000xi32, #tpu.memory_space<hbm>>, %arg6: memref<64x32xf32, #tpu.memory_space<hbm>>, %arg7: memref<640x128xf32, #tpu.memory_space<hbm>>, %arg8: memref<640x32xf32, #tpu.memory_space<hbm>>, %arg9: memref<20000x128xf32, #tpu.memory_space<hbm>>, %arg10: memref<20000x32xf32, #tpu.memory_space<hbm>>, %arg11: memref<10000x128xf32, #tpu.memory_space<vmem_shared>>, %arg12: memref<10000x32xf32, #tpu.memory_space<vmem_shared>>, %arg13: memref<80xi32, #tpu.memory_space<vmem>>, %arg14: memref<80xi32, #tpu.memory_space<vmem>>, %arg15: memref<80xi32, #tpu.memory_space<vmem>>, %arg16: memref<80xi32, #tpu.memory_space<vmem>>, %arg17: memref<80xi32, #tpu.memory_space<vmem>>, %arg18: memref<80xi32, #tpu.memory_space<vmem>>, %arg19: memref<80xi32, #tpu.memory_space<vmem>>, %arg20: memref<80xi32, #tpu.memory_space<vmem>>, %arg21: memref<80xi32, #tpu.memory_space<vmem>>, %arg22: memref<80xi32, #tpu.memory_space<vmem>>, %arg23: memref<80xi32, #tpu.memory_space<vmem>>, %arg24: memref<80xi32, #tpu.memory_space<vmem>>, %arg25: memref<80x128xf32, #tpu.memory_space<vmem>>, %arg26: memref<80x128xf32, #tpu.memory_space<vmem>>, %arg27: memref<80x32xf32, #tpu.memory_space<vmem>>, %arg28: memref<80x32xf32, #tpu.memory_space<vmem>>, %arg29: memref<!tpu.dma_semaphore, #tpu.memory_space<semaphore_mem>>, %arg30: memref<!tpu.dma_semaphore, #tpu.memory_space<semaphore_mem>>, %arg31: memref<!tpu.dma_semaphore, #tpu.memory_space<semaphore_mem>>, %arg32: memref<!tpu.dma_semaphore, #tpu.memory_space<semaphore_mem>>, %arg33: memref<!tpu.dma_semaphore, #tpu.memory_space<semaphore_mem>>, %arg34: memref<!tpu.dma_semaphore, #tpu.memory_space<semaphore_mem>>, %arg35: memref<!tpu.dma_semaphore, #tpu.memory_space<semaphore_mem>>, %arg36: memref<!tpu.dma_semaphore, #tpu.memory_space<semaphore_mem>>, %arg37: memref<!tpu.dma_semaphore, #tpu.memory_space<semaphore_mem>>, %arg38: memref<!tpu.dma_semaphore, #tpu.memory_space<semaphore_mem>>) attributes {dimension_semantics = [#tpu.dimension_semantics<core_parallel>, #tpu.dimension_semantics<subcore_parallel>], iteration_bounds = array<i64: 2, 16>, scalar_prefetch = 0 : i64, scratch_operands = 28 : i64, tpu.core_type = #tpu.core_type<sc_vector_subcore>, window_params = [{transform_indices = #map}, {transform_indices = #map1}, {transform_indices = #map1}, {transform_indices = #map1}, {transform_indices = #map}, {transform_indices = #map}, {transform_indices = #map}, {transform_indices = #map}, {transform_indices = #map}]} {
    %mul3A = arith.constant 16 : i32
    %mul3A_0 = arith.muli %arg0, %mul3A : i32
    %add3A = arith.addi %mul3A_0, %arg1 : i32
    %mul3A_1 = arith.constant 624 : i32
    %mul3A_2 = arith.muli %arg1, %mul3A_1 : i32
    %mul3A_3 = arith.constant 10000 : i32
    %mul3A_4 = arith.muli %add3A, %mul3A_3 : i32
    %add3A_5 = arith.constant 0 : i32
    %add3A_6 = arith.addi %mul3A_4, %add3A_5 : i32
    %dma_start3A = tpu.memref_slice %arg3[%add3A_6] : memref<320000xi32, #tpu.memory_space<hbm>> -> memref<80xi32, #tpu.memory_space<hbm>>
    %dma_start3A_7 = tpu.memref_slice %arg3[%add3A_6] : memref<320000xi32, #tpu.memory_space<hbm>> -> memref<80xi32, #tpu.memory_space<hbm>>
    tpu.enqueue_dma source(%dma_start3A_7 : memref<80xi32, #tpu.memory_space<hbm>>) target(%arg13 : memref<80xi32, #tpu.memory_space<vmem>>) target_semaphore(%arg29 : memref<!tpu.dma_semaphore, #tpu.memory_space<semaphore_mem>>)
    %dma_start3A_8 = tpu.memref_slice %arg4[%add3A_6] : memref<320000xi32, #tpu.memory_space<hbm>> -> memref<80xi32, #tpu.memory_space<hbm>>
    %dma_start3A_9 = tpu.memref_slice %arg4[%add3A_6] : memref<320000xi32, #tpu.memory_space<hbm>> -> memref<80xi32, #tpu.memory_space<hbm>>
    tpu.enqueue_dma source(%dma_start3A_9 : memref<80xi32, #tpu.memory_space<hbm>>) target(%arg14 : memref<80xi32, #tpu.memory_space<vmem>>) target_semaphore(%arg29 : memref<!tpu.dma_semaphore, #tpu.memory_space<semaphore_mem>>)
    %dma_start3A_10 = tpu.memref_slice %arg5[%add3A_6] : memref<320000xi32, #tpu.memory_space<hbm>> -> memref<80xi32, #tpu.memory_space<hbm>>
    %dma_start3A_11 = tpu.memref_slice %arg5[%add3A_6] : memref<320000xi32, #tpu.memory_space<hbm>> -> memref<80xi32, #tpu.memory_space<hbm>>
    tpu.enqueue_dma source(%dma_start3A_11 : memref<80xi32, #tpu.memory_space<hbm>>) target(%arg15 : memref<80xi32, #tpu.memory_space<vmem>>) target_semaphore(%arg29 : memref<!tpu.dma_semaphore, #tpu.memory_space<semaphore_mem>>)
    %add3A_12 = arith.constant 80 : i32
    %add3A_13 = arith.addi %mul3A_4, %add3A_12 : i32
    %dma_start3A_14 = tpu.memref_slice %arg3[%add3A_13] : memref<320000xi32, #tpu.memory_space<hbm>> -> memref<80xi32, #tpu.memory_space<hbm>>
    %dma_start3A_15 = tpu.memref_slice %arg3[%add3A_13] : memref<320000xi32, #tpu.memory_space<hbm>> -> memref<80xi32, #tpu.memory_space<hbm>>
    tpu.enqueue_dma source(%dma_start3A_15 : memref<80xi32, #tpu.memory_space<hbm>>) target(%arg16 : memref<80xi32, #tpu.memory_space<vmem>>) target_semaphore(%arg30 : memref<!tpu.dma_semaphore, #tpu.memory_space<semaphore_mem>>)
    %dma_start3A_16 = tpu.memref_slice %arg4[%add3A_13] : memref<320000xi32, #tpu.memory_space<hbm>> -> memref<80xi32, #tpu.memory_space<hbm>>
    %dma_start3A_17 = tpu.memref_slice %arg4[%add3A_13] : memref<320000xi32, #tpu.memory_space<hbm>> -> memref<80xi32, #tpu.memory_space<hbm>>
    tpu.enqueue_dma source(%dma_start3A_17 : memref<80xi32, #tpu.memory_space<hbm>>) target(%arg17 : memref<80xi32, #tpu.memory_space<vmem>>) target_semaphore(%arg30 : memref<!tpu.dma_semaphore, #tpu.memory_space<semaphore_mem>>)
    %dma_start3A_18 = tpu.memref_slice %arg5[%add3A_13] : memref<320000xi32, #tpu.memory_space<hbm>> -> memref<80xi32, #tpu.memory_space<hbm>>
    %dma_start3A_19 = tpu.memref_slice %arg5[%add3A_13] : memref<320000xi32, #tpu.memory_space<hbm>> -> memref<80xi32, #tpu.memory_space<hbm>>
    tpu.enqueue_dma source(%dma_start3A_19 : memref<80xi32, #tpu.memory_space<hbm>>) target(%arg18 : memref<80xi32, #tpu.memory_space<vmem>>) target_semaphore(%arg30 : memref<!tpu.dma_semaphore, #tpu.memory_space<semaphore_mem>>)
    %add3A_20 = arith.constant 160 : i32
    %add3A_21 = arith.addi %mul3A_4, %add3A_20 : i32
    %dma_start3A_22 = tpu.memref_slice %arg3[%add3A_21] : memref<320000xi32, #tpu.memory_space<hbm>> -> memref<80xi32, #tpu.memory_space<hbm>>
    %dma_start3A_23 = tpu.memref_slice %arg3[%add3A_21] : memref<320000xi32, #tpu.memory_space<hbm>> -> memref<80xi32, #tpu.memory_space<hbm>>
    tpu.enqueue_dma source(%dma_start3A_23 : memref<80xi32, #tpu.memory_space<hbm>>) target(%arg19 : memref<80xi32, #tpu.memory_space<vmem>>) target_semaphore(%arg31 : memref<!tpu.dma_semaphore, #tpu.memory_space<semaphore_mem>>)
    %dma_start3A_24 = tpu.memref_slice %arg4[%add3A_21] : memref<320000xi32, #tpu.memory_space<hbm>> -> memref<80xi32, #tpu.memory_space<hbm>>
    %dma_start3A_25 = tpu.memref_slice %arg4[%add3A_21] : memref<320000xi32, #tpu.memory_space<hbm>> -> memref<80xi32, #tpu.memory_space<hbm>>
    tpu.enqueue_dma source(%dma_start3A_25 : memref<80xi32, #tpu.memory_space<hbm>>) target(%arg20 : memref<80xi32, #tpu.memory_space<vmem>>) target_semaphore(%arg31 : memref<!tpu.dma_semaphore, #tpu.memory_space<semaphore_mem>>)
    %dma_start3A_26 = tpu.memref_slice %arg5[%add3A_21] : memref<320000xi32, #tpu.memory_space<hbm>> -> memref<80xi32, #tpu.memory_space<hbm>>
    %dma_start3A_27 = tpu.memref_slice %arg5[%add3A_21] : memref<320000xi32, #tpu.memory_space<hbm>> -> memref<80xi32, #tpu.memory_space<hbm>>
    tpu.enqueue_dma source(%dma_start3A_27 : memref<80xi32, #tpu.memory_space<hbm>>) target(%arg21 : memref<80xi32, #tpu.memory_space<vmem>>) target_semaphore(%arg31 : memref<!tpu.dma_semaphore, #tpu.memory_space<semaphore_mem>>)
    %add3A_28 = arith.constant 240 : i32
    %add3A_29 = arith.addi %mul3A_4, %add3A_28 : i32
    %dma_start3A_30 = tpu.memref_slice %arg3[%add3A_29] : memref<320000xi32, #tpu.memory_space<hbm>> -> memref<80xi32, #tpu.memory_space<hbm>>
    %dma_start3A_31 = tpu.memref_slice %arg3[%add3A_29] : memref<320000xi32, #tpu.memory_space<hbm>> -> memref<80xi32, #tpu.memory_space<hbm>>
    tpu.enqueue_dma source(%dma_start3A_31 : memref<80xi32, #tpu.memory_space<hbm>>) target(%arg22 : memref<80xi32, #tpu.memory_space<vmem>>) target_semaphore(%arg32 : memref<!tpu.dma_semaphore, #tpu.memory_space<semaphore_mem>>)
    %dma_start3A_32 = tpu.memref_slice %arg4[%add3A_29] : memref<320000xi32, #tpu.memory_space<hbm>> -> memref<80xi32, #tpu.memory_space<hbm>>
    %dma_start3A_33 = tpu.memref_slice %arg4[%add3A_29] : memref<320000xi32, #tpu.memory_space<hbm>> -> memref<80xi32, #tpu.memory_space<hbm>>
    tpu.enqueue_dma source(%dma_start3A_33 : memref<80xi32, #tpu.memory_space<hbm>>) target(%arg23 : memref<80xi32, #tpu.memory_space<vmem>>) target_semaphore(%arg32 : memref<!tpu.dma_semaphore, #tpu.memory_space<semaphore_mem>>)
    %dma_start3A_34 = tpu.memref_slice %arg5[%add3A_29] : memref<320000xi32, #tpu.memory_space<hbm>> -> memref<80xi32, #tpu.memory_space<hbm>>
    %dma_start3A_35 = tpu.memref_slice %arg5[%add3A_29] : memref<320000xi32, #tpu.memory_space<hbm>> -> memref<80xi32, #tpu.memory_space<hbm>>
    tpu.enqueue_dma source(%dma_start3A_35 : memref<80xi32, #tpu.memory_space<hbm>>) target(%arg24 : memref<80xi32, #tpu.memory_space<vmem>>) target_semaphore(%arg32 : memref<!tpu.dma_semaphore, #tpu.memory_space<semaphore_mem>>)
    "tpu.region"() ({
      %run_scoped3A = tpu.sem_alloc : memref<!tpu.dma_semaphore, #tpu.memory_space<semaphore_mem>>
      %dma_start3A_123 = arith.constant 0 : i32
      %dma_start3A_124 = tpu.memref_slice %arg11[%mul3A_2, %dma_start3A_123] : memref<10000x128xf32, #tpu.memory_space<vmem_shared>> -> memref<624x128xf32, #tpu.memory_space<vmem_shared>>
      %dma_start3A_125 = arith.constant 0 : i32
      %dma_start3A_126 = arith.constant 0 : i32
      %dma_start3A_127 = tpu.memref_slice %arg7[%dma_start3A_125, %dma_start3A_126] : memref<640x128xf32, #tpu.memory_space<hbm>> -> memref<624x128xf32, #tpu.memory_space<hbm>>
      tpu.enqueue_dma source(%dma_start3A_127 : memref<624x128xf32, #tpu.memory_space<hbm>>) target(%dma_start3A_124 : memref<624x128xf32, #tpu.memory_space<vmem_shared>>) target_semaphore(%run_scoped3A : memref<!tpu.dma_semaphore, #tpu.memory_space<semaphore_mem>>)
      %dma_wait3A_128 = arith.constant 0 : i32
      %dma_wait3A_129 = tpu.memref_slice %arg11[%mul3A_2, %dma_wait3A_128] : memref<10000x128xf32, #tpu.memory_space<vmem_shared>> -> memref<624x128xf32, #tpu.memory_space<vmem_shared>>
      %dma_wait3A_130 = arith.constant 0 : i32
      %dma_wait3A_131 = arith.constant 0 : i32
      %dma_wait3A_132 = tpu.memref_slice %arg7[%dma_wait3A_130, %dma_wait3A_131] : memref<640x128xf32, #tpu.memory_space<hbm>> -> memref<624x128xf32, #tpu.memory_space<hbm>>
      tpu.wait_dma2 semaphore(%run_scoped3A : memref<!tpu.dma_semaphore, #tpu.memory_space<semaphore_mem>>) src(%dma_wait3A_132 : memref<624x128xf32, #tpu.memory_space<hbm>>) dst(%dma_wait3A_129 : memref<624x128xf32, #tpu.memory_space<vmem_shared>>)
      tpu.yield
    }) : () -> ()
    "tpu.region"() ({
      %run_scoped3A = tpu.sem_alloc : memref<!tpu.dma_semaphore, #tpu.memory_space<semaphore_mem>>
      %dma_start3A_123 = arith.constant 0 : i32
      %dma_start3A_124 = tpu.memref_slice %arg12[%mul3A_2, %dma_start3A_123] : memref<10000x32xf32, #tpu.memory_space<vmem_shared>> -> memref<624x32xf32, #tpu.memory_space<vmem_shared>>
      %dma_start3A_125 = arith.constant 0 : i32
      %dma_start3A_126 = arith.constant 0 : i32
      %dma_start3A_127 = tpu.memref_slice %arg8[%dma_start3A_125, %dma_start3A_126] : memref<640x32xf32, #tpu.memory_space<hbm>> -> memref<624x32xf32, #tpu.memory_space<hbm>>
      tpu.enqueue_dma source(%dma_start3A_127 : memref<624x32xf32, #tpu.memory_space<hbm>>) target(%dma_start3A_124 : memref<624x32xf32, #tpu.memory_space<vmem_shared>>) target_semaphore(%run_scoped3A : memref<!tpu.dma_semaphore, #tpu.memory_space<semaphore_mem>>)
      %dma_wait3A_128 = arith.constant 0 : i32
      %dma_wait3A_129 = tpu.memref_slice %arg12[%mul3A_2, %dma_wait3A_128] : memref<10000x32xf32, #tpu.memory_space<vmem_shared>> -> memref<624x32xf32, #tpu.memory_space<vmem_shared>>
      %dma_wait3A_130 = arith.constant 0 : i32
      %dma_wait3A_131 = arith.constant 0 : i32
      %dma_wait3A_132 = tpu.memref_slice %arg8[%dma_wait3A_130, %dma_wait3A_131] : memref<640x32xf32, #tpu.memory_space<hbm>> -> memref<624x32xf32, #tpu.memory_space<hbm>>
      tpu.wait_dma2 semaphore(%run_scoped3A : memref<!tpu.dma_semaphore, #tpu.memory_space<semaphore_mem>>) src(%dma_wait3A_132 : memref<624x32xf32, #tpu.memory_space<hbm>>) dst(%dma_wait3A_129 : memref<624x32xf32, #tpu.memory_space<vmem_shared>>)
      tpu.yield
    }) : () -> ()
    %eq3A = arith.constant 15 : i32
    %eq3A_36 = arith.cmpi eq, %arg1, %eq3A : i32
    %convert_element_type3A = arith.extui %eq3A_36 : i1 to i32
    %cond3A = arith.constant 0 : i32
    %cond3A_37 = arith.cmpi ne, %convert_element_type3A, %cond3A : i32
    scf.if %cond3A_37 {
      "tpu.region"() ({
        %run_scoped3A = tpu.sem_alloc : memref<!tpu.dma_semaphore, #tpu.memory_space<semaphore_mem>>
        %dma_start3A_123 = arith.constant 9984 : i32
        %dma_start3A_124 = arith.constant 0 : i32
        %dma_start3A_125 = tpu.memref_slice %arg11[%dma_start3A_123, %dma_start3A_124] : memref<10000x128xf32, #tpu.memory_space<vmem_shared>> -> memref<16x128xf32, #tpu.memory_space<vmem_shared>>
        %dma_start3A_126 = arith.constant 0 : i32
        %dma_start3A_127 = arith.constant 0 : i32
        %dma_start3A_128 = tpu.memref_slice %arg7[%dma_start3A_126, %dma_start3A_127] : memref<640x128xf32, #tpu.memory_space<hbm>> -> memref<16x128xf32, #tpu.memory_space<hbm>>
        tpu.enqueue_dma source(%dma_start3A_128 : memref<16x128xf32, #tpu.memory_space<hbm>>) target(%dma_start3A_125 : memref<16x128xf32, #tpu.memory_space<vmem_shared>>) target_semaphore(%run_scoped3A : memref<!tpu.dma_semaphore, #tpu.memory_space<semaphore_mem>>)
        %dma_wait3A_129 = arith.constant 9984 : i32
        %dma_wait3A_130 = arith.constant 0 : i32
        %dma_wait3A_131 = tpu.memref_slice %arg11[%dma_wait3A_129, %dma_wait3A_130] : memref<10000x128xf32, #tpu.memory_space<vmem_shared>> -> memref<16x128xf32, #tpu.memory_space<vmem_shared>>
        %dma_wait3A_132 = arith.constant 0 : i32
        %dma_wait3A_133 = arith.constant 0 : i32
        %dma_wait3A_134 = tpu.memref_slice %arg7[%dma_wait3A_132, %dma_wait3A_133] : memref<640x128xf32, #tpu.memory_space<hbm>> -> memref<16x128xf32, #tpu.memory_space<hbm>>
        tpu.wait_dma2 semaphore(%run_scoped3A : memref<!tpu.dma_semaphore, #tpu.memory_space<semaphore_mem>>) src(%dma_wait3A_134 : memref<16x128xf32, #tpu.memory_space<hbm>>) dst(%dma_wait3A_131 : memref<16x128xf32, #tpu.memory_space<vmem_shared>>)
        tpu.yield
      }) : () -> ()
      "tpu.region"() ({
        %run_scoped3A = tpu.sem_alloc : memref<!tpu.dma_semaphore, #tpu.memory_space<semaphore_mem>>
        %dma_start3A_123 = arith.constant 9984 : i32
        %dma_start3A_124 = arith.constant 0 : i32
        %dma_start3A_125 = tpu.memref_slice %arg12[%dma_start3A_123, %dma_start3A_124] : memref<10000x32xf32, #tpu.memory_space<vmem_shared>> -> memref<16x32xf32, #tpu.memory_space<vmem_shared>>
        %dma_start3A_126 = arith.constant 0 : i32
        %dma_start3A_127 = arith.constant 0 : i32
        %dma_start3A_128 = tpu.memref_slice %arg8[%dma_start3A_126, %dma_start3A_127] : memref<640x32xf32, #tpu.memory_space<hbm>> -> memref<16x32xf32, #tpu.memory_space<hbm>>
        tpu.enqueue_dma source(%dma_start3A_128 : memref<16x32xf32, #tpu.memory_space<hbm>>) target(%dma_start3A_125 : memref<16x32xf32, #tpu.memory_space<vmem_shared>>) target_semaphore(%run_scoped3A : memref<!tpu.dma_semaphore, #tpu.memory_space<semaphore_mem>>)
        %dma_wait3A_129 = arith.constant 9984 : i32
        %dma_wait3A_130 = arith.constant 0 : i32
        %dma_wait3A_131 = tpu.memref_slice %arg12[%dma_wait3A_129, %dma_wait3A_130] : memref<10000x32xf32, #tpu.memory_space<vmem_shared>> -> memref<16x32xf32, #tpu.memory_space<vmem_shared>>
        %dma_wait3A_132 = arith.constant 0 : i32
        %dma_wait3A_133 = arith.constant 0 : i32
        %dma_wait3A_134 = tpu.memref_slice %arg8[%dma_wait3A_132, %dma_wait3A_133] : memref<640x32xf32, #tpu.memory_space<hbm>> -> memref<16x32xf32, #tpu.memory_space<hbm>>
        tpu.wait_dma2 semaphore(%run_scoped3A : memref<!tpu.dma_semaphore, #tpu.memory_space<semaphore_mem>>) src(%dma_wait3A_134 : memref<16x32xf32, #tpu.memory_space<hbm>>) dst(%dma_wait3A_131 : memref<16x32xf32, #tpu.memory_space<vmem_shared>>)
        tpu.yield
      }) : () -> ()
    } else {
    }
    %dma_wait3A = arith.constant 0 : i32
    %dma_wait3A_38 = tpu.memref_slice %arg3[%dma_wait3A] : memref<320000xi32, #tpu.memory_space<hbm>> -> memref<80xi32, #tpu.memory_space<hbm>>
    %dma_wait3A_39 = arith.constant 0 : i32
    %dma_wait3A_40 = tpu.memref_slice %arg3[%dma_wait3A_39] : memref<320000xi32, #tpu.memory_space<hbm>> -> memref<80xi32, #tpu.memory_space<hbm>>
    tpu.wait_dma2 semaphore(%arg29 : memref<!tpu.dma_semaphore, #tpu.memory_space<semaphore_mem>>) src(%dma_wait3A_40 : memref<80xi32, #tpu.memory_space<hbm>>) dst(%arg13 : memref<80xi32, #tpu.memory_space<vmem>>)
    %dma_wait3A_41 = arith.constant 0 : i32
    %dma_wait3A_42 = tpu.memref_slice %arg3[%dma_wait3A_41] : memref<320000xi32, #tpu.memory_space<hbm>> -> memref<80xi32, #tpu.memory_space<hbm>>
    %dma_wait3A_43 = arith.constant 0 : i32
    %dma_wait3A_44 = tpu.memref_slice %arg3[%dma_wait3A_43] : memref<320000xi32, #tpu.memory_space<hbm>> -> memref<80xi32, #tpu.memory_space<hbm>>
    tpu.wait_dma2 semaphore(%arg29 : memref<!tpu.dma_semaphore, #tpu.memory_space<semaphore_mem>>) src(%dma_wait3A_44 : memref<80xi32, #tpu.memory_space<hbm>>) dst(%arg14 : memref<80xi32, #tpu.memory_space<vmem>>)
    %dma_wait3A_45 = arith.constant 0 : i32
    %dma_wait3A_46 = tpu.memref_slice %arg3[%dma_wait3A_45] : memref<320000xi32, #tpu.memory_space<hbm>> -> memref<80xi32, #tpu.memory_space<hbm>>
    %dma_wait3A_47 = arith.constant 0 : i32
    %dma_wait3A_48 = tpu.memref_slice %arg3[%dma_wait3A_47] : memref<320000xi32, #tpu.memory_space<hbm>> -> memref<80xi32, #tpu.memory_space<hbm>>
    tpu.wait_dma2 semaphore(%arg29 : memref<!tpu.dma_semaphore, #tpu.memory_space<semaphore_mem>>) src(%dma_wait3A_48 : memref<80xi32, #tpu.memory_space<hbm>>) dst(%arg15 : memref<80xi32, #tpu.memory_space<vmem>>)
    %dma_start3A_49 = arith.constant 0 : i32
    %dma_start3A_50 = arith.constant 0 : i32
    %dma_start3A_51 = tpu.memref_slice %arg2[%dma_start3A_49, %dma_start3A_50] : memref<10000x128xf32, #tpu.memory_space<hbm>> -> memref<10000x128xf32, #tpu.memory_space<hbm>>
    tpu.enqueue_indirect_dma source(%dma_start3A_51 : memref<10000x128xf32, #tpu.memory_space<hbm>>) target(%arg25 : memref<80x128xf32, #tpu.memory_space<vmem>>) offsets(%arg13 : memref<80xi32, #tpu.memory_space<vmem>>) semaphore(%arg33 : memref<!tpu.dma_semaphore, #tpu.memory_space<semaphore_mem>>)
    %dma_start3A_52 = arith.constant 0 : i32
    %dma_start3A_53 = arith.constant 0 : i32
    %dma_start3A_54 = tpu.memref_slice %arg6[%dma_start3A_52, %dma_start3A_53] : memref<64x32xf32, #tpu.memory_space<hbm>> -> memref<64x32xf32, #tpu.memory_space<hbm>>
    tpu.enqueue_indirect_dma source(%dma_start3A_54 : memref<64x32xf32, #tpu.memory_space<hbm>>) target(%arg27 : memref<80x32xf32, #tpu.memory_space<vmem>>) offsets(%arg15 : memref<80xi32, #tpu.memory_space<vmem>>) semaphore(%arg35 : memref<!tpu.dma_semaphore, #tpu.memory_space<semaphore_mem>>)
    %barrier3A = arith.constant 0 : index
    tpu.barrier barrier_id(%barrier3A)
    %scan3A = arith.constant 0 : i32
    %scan3A_55 = arith.constant 0 : i32
    %scan3A_56 = arith.constant 31 : i32
    %scan3A_57 = arith.addi %scan3A_55, %scan3A_56 : i32
    %scan3A_58 = arith.constant 1 : i32
    scf.for %scan3A_123 = %scan3A_55 to %scan3A_57 step %scan3A_58  : i32 {
      %mul3A_124 = arith.constant 4 : i32
      %mul3A_125 = arith.muli %mul3A_124, %scan3A_123 : i32
      %dma_wait3A_126 = arith.constant 0 : i32
      %dma_wait3A_127 = tpu.memref_slice %arg3[%dma_wait3A_126] : memref<320000xi32, #tpu.memory_space<hbm>> -> memref<80xi32, #tpu.memory_space<hbm>>
      %dma_wait3A_128 = arith.constant 0 : i32
      %dma_wait3A_129 = tpu.memref_slice %arg3[%dma_wait3A_128] : memref<320000xi32, #tpu.memory_space<hbm>> -> memref<80xi32, #tpu.memory_space<hbm>>
      tpu.wait_dma2 semaphore(%arg30 : memref<!tpu.dma_semaphore, #tpu.memory_space<semaphore_mem>>) src(%dma_wait3A_129 : memref<80xi32, #tpu.memory_space<hbm>>) dst(%arg16 : memref<80xi32, #tpu.memory_space<vmem>>)
      %dma_wait3A_130 = arith.constant 0 : i32
      %dma_wait3A_131 = tpu.memref_slice %arg3[%dma_wait3A_130] : memref<320000xi32, #tpu.memory_space<hbm>> -> memref<80xi32, #tpu.memory_space<hbm>>
      %dma_wait3A_132 = arith.constant 0 : i32
      %dma_wait3A_133 = tpu.memref_slice %arg3[%dma_wait3A_132] : memref<320000xi32, #tpu.memory_space<hbm>> -> memref<80xi32, #tpu.memory_space<hbm>>
      tpu.wait_dma2 semaphore(%arg30 : memref<!tpu.dma_semaphore, #tpu.memory_space<semaphore_mem>>) src(%dma_wait3A_133 : memref<80xi32, #tpu.memory_space<hbm>>) dst(%arg17 : memref<80xi32, #tpu.memory_space<vmem>>)
      %dma_wait3A_134 = arith.constant 0 : i32
      %dma_wait3A_135 = tpu.memref_slice %arg3[%dma_wait3A_134] : memref<320000xi32, #tpu.memory_space<hbm>> -> memref<80xi32, #tpu.memory_space<hbm>>
      %dma_wait3A_136 = arith.constant 0 : i32
      %dma_wait3A_137 = tpu.memref_slice %arg3[%dma_wait3A_136] : memref<320000xi32, #tpu.memory_space<hbm>> -> memref<80xi32, #tpu.memory_space<hbm>>
      tpu.wait_dma2 semaphore(%arg30 : memref<!tpu.dma_semaphore, #tpu.memory_space<semaphore_mem>>) src(%dma_wait3A_137 : memref<80xi32, #tpu.memory_space<hbm>>) dst(%arg18 : memref<80xi32, #tpu.memory_space<vmem>>)
      %dma_start3A_138 = arith.constant 0 : i32
      %dma_start3A_139 = arith.constant 0 : i32
      %dma_start3A_140 = tpu.memref_slice %arg2[%dma_start3A_138, %dma_start3A_139] : memref<10000x128xf32, #tpu.memory_space<hbm>> -> memref<10000x128xf32, #tpu.memory_space<hbm>>
      tpu.enqueue_indirect_dma source(%dma_start3A_140 : memref<10000x128xf32, #tpu.memory_space<hbm>>) target(%arg26 : memref<80x128xf32, #tpu.memory_space<vmem>>) offsets(%arg16 : memref<80xi32, #tpu.memory_space<vmem>>) semaphore(%arg34 : memref<!tpu.dma_semaphore, #tpu.memory_space<semaphore_mem>>)
      %dma_start3A_141 = arith.constant 0 : i32
      %dma_start3A_142 = arith.constant 0 : i32
      %dma_start3A_143 = tpu.memref_slice %arg6[%dma_start3A_141, %dma_start3A_142] : memref<64x32xf32, #tpu.memory_space<hbm>> -> memref<64x32xf32, #tpu.memory_space<hbm>>
      tpu.enqueue_indirect_dma source(%dma_start3A_143 : memref<64x32xf32, #tpu.memory_space<hbm>>) target(%arg28 : memref<80x32xf32, #tpu.memory_space<vmem>>) offsets(%arg18 : memref<80xi32, #tpu.memory_space<vmem>>) semaphore(%arg36 : memref<!tpu.dma_semaphore, #tpu.memory_space<semaphore_mem>>)
      %dma_wait3A_144 = arith.constant 0 : i32
      %dma_wait3A_145 = arith.constant 0 : i32
      %dma_wait3A_146 = tpu.memref_slice %arg2[%dma_wait3A_144, %dma_wait3A_145] : memref<10000x128xf32, #tpu.memory_space<hbm>> -> memref<10000x128xf32, #tpu.memory_space<hbm>>
      tpu.wait_indirect_dma semaphore(%arg33 : memref<!tpu.dma_semaphore, #tpu.memory_space<semaphore_mem>>) src(%dma_wait3A_146 : memref<10000x128xf32, #tpu.memory_space<hbm>>) dst(%arg25 : memref<80x128xf32, #tpu.memory_space<vmem>>)
      %dma_wait3A_147 = arith.constant 0 : i32
      %dma_wait3A_148 = arith.constant 0 : i32
      %dma_wait3A_149 = tpu.memref_slice %arg6[%dma_wait3A_147, %dma_wait3A_148] : memref<64x32xf32, #tpu.memory_space<hbm>> -> memref<64x32xf32, #tpu.memory_space<hbm>>
      tpu.wait_indirect_dma semaphore(%arg35 : memref<!tpu.dma_semaphore, #tpu.memory_space<semaphore_mem>>) src(%dma_wait3A_149 : memref<64x32xf32, #tpu.memory_space<hbm>>) dst(%arg27 : memref<80x32xf32, #tpu.memory_space<vmem>>)
      %dma_start3A_150 = arith.constant 0 : i32
      %dma_start3A_151 = arith.constant 0 : i32
      %dma_start3A_152 = tpu.memref_slice %arg11[%dma_start3A_150, %dma_start3A_151] : memref<10000x128xf32, #tpu.memory_space<vmem_shared>> -> memref<10000x128xf32, #tpu.memory_space<vmem_shared>>
      tpu.enqueue_indirect_dma source(%arg25 : memref<80x128xf32, #tpu.memory_space<vmem>>) target(%dma_start3A_152 : memref<10000x128xf32, #tpu.memory_space<vmem_shared>>) offsets(%arg14 : memref<80xi32, #tpu.memory_space<vmem>>) semaphore(%arg37 : memref<!tpu.dma_semaphore, #tpu.memory_space<semaphore_mem>>) {add = true}
      %dma_start3A_153 = arith.constant 0 : i32
      %dma_start3A_154 = arith.constant 0 : i32
      %dma_start3A_155 = tpu.memref_slice %arg12[%dma_start3A_153, %dma_start3A_154] : memref<10000x32xf32, #tpu.memory_space<vmem_shared>> -> memref<10000x32xf32, #tpu.memory_space<vmem_shared>>
      tpu.enqueue_indirect_dma source(%arg27 : memref<80x32xf32, #tpu.memory_space<vmem>>) target(%dma_start3A_155 : memref<10000x32xf32, #tpu.memory_space<vmem_shared>>) offsets(%arg14 : memref<80xi32, #tpu.memory_space<vmem>>) semaphore(%arg38 : memref<!tpu.dma_semaphore, #tpu.memory_space<semaphore_mem>>) {add = true}
      %dma_wait3A_156 = arith.constant 0 : i32
      %dma_wait3A_157 = arith.constant 0 : i32
      %dma_wait3A_158 = tpu.memref_slice %arg11[%dma_wait3A_156, %dma_wait3A_157] : memref<10000x128xf32, #tpu.memory_space<vmem_shared>> -> memref<10000x128xf32, #tpu.memory_space<vmem_shared>>
      tpu.wait_indirect_dma semaphore(%arg37 : memref<!tpu.dma_semaphore, #tpu.memory_space<semaphore_mem>>) src(%arg25 : memref<80x128xf32, #tpu.memory_space<vmem>>) dst(%dma_wait3A_158 : memref<10000x128xf32, #tpu.memory_space<vmem_shared>>)
      %dma_wait3A_159 = arith.constant 0 : i32
      %dma_wait3A_160 = arith.constant 0 : i32
      %dma_wait3A_161 = tpu.memref_slice %arg12[%dma_wait3A_159, %dma_wait3A_160] : memref<10000x32xf32, #tpu.memory_space<vmem_shared>> -> memref<10000x32xf32, #tpu.memory_space<vmem_shared>>
      tpu.wait_indirect_dma semaphore(%arg38 : memref<!tpu.dma_semaphore, #tpu.memory_space<semaphore_mem>>) src(%arg27 : memref<80x32xf32, #tpu.memory_space<vmem>>) dst(%dma_wait3A_161 : memref<10000x32xf32, #tpu.memory_space<vmem_shared>>)
      %add3A_162 = arith.constant 4 : i32
      %add3A_163 = arith.addi %mul3A_125, %add3A_162 : i32
      %min3A = arith.constant 124 : i32
      %min3A_164 = arith.minsi %add3A_163, %min3A : i32
      %mul3A_165 = arith.constant 80 : i32
      %mul3A_166 = arith.muli %min3A_164, %mul3A_165 : i32
      %add3A_167 = arith.addi %mul3A_4, %mul3A_166 : i32
      %dma_start3A_168 = tpu.memref_slice %arg3[%add3A_167] : memref<320000xi32, #tpu.memory_space<hbm>> -> memref<80xi32, #tpu.memory_space<hbm>>
      %dma_start3A_169 = tpu.memref_slice %arg3[%add3A_167] : memref<320000xi32, #tpu.memory_space<hbm>> -> memref<80xi32, #tpu.memory_space<hbm>>
      tpu.enqueue_dma source(%dma_start3A_169 : memref<80xi32, #tpu.memory_space<hbm>>) target(%arg13 : memref<80xi32, #tpu.memory_space<vmem>>) target_semaphore(%arg29 : memref<!tpu.dma_semaphore, #tpu.memory_space<semaphore_mem>>)
      %dma_start3A_170 = tpu.memref_slice %arg4[%add3A_167] : memref<320000xi32, #tpu.memory_space<hbm>> -> memref<80xi32, #tpu.memory_space<hbm>>
      %dma_start3A_171 = tpu.memref_slice %arg4[%add3A_167] : memref<320000xi32, #tpu.memory_space<hbm>> -> memref<80xi32, #tpu.memory_space<hbm>>
      tpu.enqueue_dma source(%dma_start3A_171 : memref<80xi32, #tpu.memory_space<hbm>>) target(%arg14 : memref<80xi32, #tpu.memory_space<vmem>>) target_semaphore(%arg29 : memref<!tpu.dma_semaphore, #tpu.memory_space<semaphore_mem>>)
      %dma_start3A_172 = tpu.memref_slice %arg5[%add3A_167] : memref<320000xi32, #tpu.memory_space<hbm>> -> memref<80xi32, #tpu.memory_space<hbm>>
      %dma_start3A_173 = tpu.memref_slice %arg5[%add3A_167] : memref<320000xi32, #tpu.memory_space<hbm>> -> memref<80xi32, #tpu.memory_space<hbm>>
      tpu.enqueue_dma source(%dma_start3A_173 : memref<80xi32, #tpu.memory_space<hbm>>) target(%arg15 : memref<80xi32, #tpu.memory_space<vmem>>) target_semaphore(%arg29 : memref<!tpu.dma_semaphore, #tpu.memory_space<semaphore_mem>>)
      %dma_wait3A_174 = arith.constant 0 : i32
      %dma_wait3A_175 = tpu.memref_slice %arg3[%dma_wait3A_174] : memref<320000xi32, #tpu.memory_space<hbm>> -> memref<80xi32, #tpu.memory_space<hbm>>
      %dma_wait3A_176 = arith.constant 0 : i32
      %dma_wait3A_177 = tpu.memref_slice %arg3[%dma_wait3A_176] : memref<320000xi32, #tpu.memory_space<hbm>> -> memref<80xi32, #tpu.memory_space<hbm>>
      tpu.wait_dma2 semaphore(%arg31 : memref<!tpu.dma_semaphore, #tpu.memory_space<semaphore_mem>>) src(%dma_wait3A_177 : memref<80xi32, #tpu.memory_space<hbm>>) dst(%arg19 : memref<80xi32, #tpu.memory_space<vmem>>)
      %dma_wait3A_178 = arith.constant 0 : i32
      %dma_wait3A_179 = tpu.memref_slice %arg3[%dma_wait3A_178] : memref<320000xi32, #tpu.memory_space<hbm>> -> memref<80xi32, #tpu.memory_space<hbm>>
      %dma_wait3A_180 = arith.constant 0 : i32
      %dma_wait3A_181 = tpu.memref_slice %arg3[%dma_wait3A_180] : memref<320000xi32, #tpu.memory_space<hbm>> -> memref<80xi32, #tpu.memory_space<hbm>>
      tpu.wait_dma2 semaphore(%arg31 : memref<!tpu.dma_semaphore, #tpu.memory_space<semaphore_mem>>) src(%dma_wait3A_181 : memref<80xi32, #tpu.memory_space<hbm>>) dst(%arg20 : memref<80xi32, #tpu.memory_space<vmem>>)
      %dma_wait3A_182 = arith.constant 0 : i32
      %dma_wait3A_183 = tpu.memref_slice %arg3[%dma_wait3A_182] : memref<320000xi32, #tpu.memory_space<hbm>> -> memref<80xi32, #tpu.memory_space<hbm>>
      %dma_wait3A_184 = arith.constant 0 : i32
      %dma_wait3A_185 = tpu.memref_slice %arg3[%dma_wait3A_184] : memref<320000xi32, #tpu.memory_space<hbm>> -> memref<80xi32, #tpu.memory_space<hbm>>
      tpu.wait_dma2 semaphore(%arg31 : memref<!tpu.dma_semaphore, #tpu.memory_space<semaphore_mem>>) src(%dma_wait3A_185 : memref<80xi32, #tpu.memory_space<hbm>>) dst(%arg21 : memref<80xi32, #tpu.memory_space<vmem>>)
      %dma_start3A_186 = arith.constant 0 : i32
      %dma_start3A_187 = arith.constant 0 : i32
      %dma_start3A_188 = tpu.memref_slice %arg2[%dma_start3A_186, %dma_start3A_187] : memref<10000x128xf32, #tpu.memory_space<hbm>> -> memref<10000x128xf32, #tpu.memory_space<hbm>>
      tpu.enqueue_indirect_dma source(%dma_start3A_188 : memref<10000x128xf32, #tpu.memory_space<hbm>>) target(%arg25 : memref<80x128xf32, #tpu.memory_space<vmem>>) offsets(%arg19 : memref<80xi32, #tpu.memory_space<vmem>>) semaphore(%arg33 : memref<!tpu.dma_semaphore, #tpu.memory_space<semaphore_mem>>)
      %dma_start3A_189 = arith.constant 0 : i32
      %dma_start3A_190 = arith.constant 0 : i32
      %dma_start3A_191 = tpu.memref_slice %arg6[%dma_start3A_189, %dma_start3A_190] : memref<64x32xf32, #tpu.memory_space<hbm>> -> memref<64x32xf32, #tpu.memory_space<hbm>>
      tpu.enqueue_indirect_dma source(%dma_start3A_191 : memref<64x32xf32, #tpu.memory_space<hbm>>) target(%arg27 : memref<80x32xf32, #tpu.memory_space<vmem>>) offsets(%arg21 : memref<80xi32, #tpu.memory_space<vmem>>) semaphore(%arg35 : memref<!tpu.dma_semaphore, #tpu.memory_space<semaphore_mem>>)
      %dma_wait3A_192 = arith.constant 0 : i32
      %dma_wait3A_193 = arith.constant 0 : i32
      %dma_wait3A_194 = tpu.memref_slice %arg2[%dma_wait3A_192, %dma_wait3A_193] : memref<10000x128xf32, #tpu.memory_space<hbm>> -> memref<10000x128xf32, #tpu.memory_space<hbm>>
      tpu.wait_indirect_dma semaphore(%arg34 : memref<!tpu.dma_semaphore, #tpu.memory_space<semaphore_mem>>) src(%dma_wait3A_194 : memref<10000x128xf32, #tpu.memory_space<hbm>>) dst(%arg26 : memref<80x128xf32, #tpu.memory_space<vmem>>)
      %dma_wait3A_195 = arith.constant 0 : i32
      %dma_wait3A_196 = arith.constant 0 : i32
      %dma_wait3A_197 = tpu.memref_slice %arg6[%dma_wait3A_195, %dma_wait3A_196] : memref<64x32xf32, #tpu.memory_space<hbm>> -> memref<64x32xf32, #tpu.memory_space<hbm>>
      tpu.wait_indirect_dma semaphore(%arg36 : memref<!tpu.dma_semaphore, #tpu.memory_space<semaphore_mem>>) src(%dma_wait3A_197 : memref<64x32xf32, #tpu.memory_space<hbm>>) dst(%arg28 : memref<80x32xf32, #tpu.memory_space<vmem>>)
      %dma_start3A_198 = arith.constant 0 : i32
      %dma_start3A_199 = arith.constant 0 : i32
      %dma_start3A_200 = tpu.memref_slice %arg11[%dma_start3A_198, %dma_start3A_199] : memref<10000x128xf32, #tpu.memory_space<vmem_shared>> -> memref<10000x128xf32, #tpu.memory_space<vmem_shared>>
      tpu.enqueue_indirect_dma source(%arg26 : memref<80x128xf32, #tpu.memory_space<vmem>>) target(%dma_start3A_200 : memref<10000x128xf32, #tpu.memory_space<vmem_shared>>) offsets(%arg17 : memref<80xi32, #tpu.memory_space<vmem>>) semaphore(%arg37 : memref<!tpu.dma_semaphore, #tpu.memory_space<semaphore_mem>>) {add = true}
      %dma_start3A_201 = arith.constant 0 : i32
      %dma_start3A_202 = arith.constant 0 : i32
      %dma_start3A_203 = tpu.memref_slice %arg12[%dma_start3A_201, %dma_start3A_202] : memref<10000x32xf32, #tpu.memory_space<vmem_shared>> -> memref<10000x32xf32, #tpu.memory_space<vmem_shared>>
      tpu.enqueue_indirect_dma source(%arg28 : memref<80x32xf32, #tpu.memory_space<vmem>>) target(%dma_start3A_203 : memref<10000x32xf32, #tpu.memory_space<vmem_shared>>) offsets(%arg17 : memref<80xi32, #tpu.memory_space<vmem>>) semaphore(%arg38 : memref<!tpu.dma_semaphore, #tpu.memory_space<semaphore_mem>>) {add = true}
      %dma_wait3A_204 = arith.constant 0 : i32
      %dma_wait3A_205 = arith.constant 0 : i32
      %dma_wait3A_206 = tpu.memref_slice %arg11[%dma_wait3A_204, %dma_wait3A_205] : memref<10000x128xf32, #tpu.memory_space<vmem_shared>> -> memref<10000x128xf32, #tpu.memory_space<vmem_shared>>
      tpu.wait_indirect_dma semaphore(%arg37 : memref<!tpu.dma_semaphore, #tpu.memory_space<semaphore_mem>>) src(%arg26 : memref<80x128xf32, #tpu.memory_space<vmem>>) dst(%dma_wait3A_206 : memref<10000x128xf32, #tpu.memory_space<vmem_shared>>)
      %dma_wait3A_207 = arith.constant 0 : i32
      %dma_wait3A_208 = arith.constant 0 : i32
      %dma_wait3A_209 = tpu.memref_slice %arg12[%dma_wait3A_207, %dma_wait3A_208] : memref<10000x32xf32, #tpu.memory_space<vmem_shared>> -> memref<10000x32xf32, #tpu.memory_space<vmem_shared>>
      tpu.wait_indirect_dma semaphore(%arg38 : memref<!tpu.dma_semaphore, #tpu.memory_space<semaphore_mem>>) src(%arg28 : memref<80x32xf32, #tpu.memory_space<vmem>>) dst(%dma_wait3A_209 : memref<10000x32xf32, #tpu.memory_space<vmem_shared>>)
      %add3A_210 = arith.constant 5 : i32
      %add3A_211 = arith.addi %mul3A_125, %add3A_210 : i32
      %min3A_212 = arith.constant 124 : i32
      %min3A_213 = arith.minsi %add3A_211, %min3A_212 : i32
      %mul3A_214 = arith.constant 80 : i32
      %mul3A_215 = arith.muli %min3A_213, %mul3A_214 : i32
      %add3A_216 = arith.addi %mul3A_4, %mul3A_215 : i32
      %dma_start3A_217 = tpu.memref_slice %arg3[%add3A_216] : memref<320000xi32, #tpu.memory_space<hbm>> -> memref<80xi32, #tpu.memory_space<hbm>>
      %dma_start3A_218 = tpu.memref_slice %arg3[%add3A_216] : memref<320000xi32, #tpu.memory_space<hbm>> -> memref<80xi32, #tpu.memory_space<hbm>>
      tpu.enqueue_dma source(%dma_start3A_218 : memref<80xi32, #tpu.memory_space<hbm>>) target(%arg16 : memref<80xi32, #tpu.memory_space<vmem>>) target_semaphore(%arg30 : memref<!tpu.dma_semaphore, #tpu.memory_space<semaphore_mem>>)
      %dma_start3A_219 = tpu.memref_slice %arg4[%add3A_216] : memref<320000xi32, #tpu.memory_space<hbm>> -> memref<80xi32, #tpu.memory_space<hbm>>
      %dma_start3A_220 = tpu.memref_slice %arg4[%add3A_216] : memref<320000xi32, #tpu.memory_space<hbm>> -> memref<80xi32, #tpu.memory_space<hbm>>
      tpu.enqueue_dma source(%dma_start3A_220 : memref<80xi32, #tpu.memory_space<hbm>>) target(%arg17 : memref<80xi32, #tpu.memory_space<vmem>>) target_semaphore(%arg30 : memref<!tpu.dma_semaphore, #tpu.memory_space<semaphore_mem>>)
      %dma_start3A_221 = tpu.memref_slice %arg5[%add3A_216] : memref<320000xi32, #tpu.memory_space<hbm>> -> memref<80xi32, #tpu.memory_space<hbm>>
      %dma_start3A_222 = tpu.memref_slice %arg5[%add3A_216] : memref<320000xi32, #tpu.memory_space<hbm>> -> memref<80xi32, #tpu.memory_space<hbm>>
      tpu.enqueue_dma source(%dma_start3A_222 : memref<80xi32, #tpu.memory_space<hbm>>) target(%arg18 : memref<80xi32, #tpu.memory_space<vmem>>) target_semaphore(%arg30 : memref<!tpu.dma_semaphore, #tpu.memory_space<semaphore_mem>>)
      %dma_wait3A_223 = arith.constant 0 : i32
      %dma_wait3A_224 = tpu.memref_slice %arg3[%dma_wait3A_223] : memref<320000xi32, #tpu.memory_space<hbm>> -> memref<80xi32, #tpu.memory_space<hbm>>
      %dma_wait3A_225 = arith.constant 0 : i32
      %dma_wait3A_226 = tpu.memref_slice %arg3[%dma_wait3A_225] : memref<320000xi32, #tpu.memory_space<hbm>> -> memref<80xi32, #tpu.memory_space<hbm>>
      tpu.wait_dma2 semaphore(%arg32 : memref<!tpu.dma_semaphore, #tpu.memory_space<semaphore_mem>>) src(%dma_wait3A_226 : memref<80xi32, #tpu.memory_space<hbm>>) dst(%arg22 : memref<80xi32, #tpu.memory_space<vmem>>)
      %dma_wait3A_227 = arith.constant 0 : i32
      %dma_wait3A_228 = tpu.memref_slice %arg3[%dma_wait3A_227] : memref<320000xi32, #tpu.memory_space<hbm>> -> memref<80xi32, #tpu.memory_space<hbm>>
      %dma_wait3A_229 = arith.constant 0 : i32
      %dma_wait3A_230 = tpu.memref_slice %arg3[%dma_wait3A_229] : memref<320000xi32, #tpu.memory_space<hbm>> -> memref<80xi32, #tpu.memory_space<hbm>>
      tpu.wait_dma2 semaphore(%arg32 : memref<!tpu.dma_semaphore, #tpu.memory_space<semaphore_mem>>) src(%dma_wait3A_230 : memref<80xi32, #tpu.memory_space<hbm>>) dst(%arg23 : memref<80xi32, #tpu.memory_space<vmem>>)
      %dma_wait3A_231 = arith.constant 0 : i32
      %dma_wait3A_232 = tpu.memref_slice %arg3[%dma_wait3A_231] : memref<320000xi32, #tpu.memory_space<hbm>> -> memref<80xi32, #tpu.memory_space<hbm>>
      %dma_wait3A_233 = arith.constant 0 : i32
      %dma_wait3A_234 = tpu.memref_slice %arg3[%dma_wait3A_233] : memref<320000xi32, #tpu.memory_space<hbm>> -> memref<80xi32, #tpu.memory_space<hbm>>
      tpu.wait_dma2 semaphore(%arg32 : memref<!tpu.dma_semaphore, #tpu.memory_space<semaphore_mem>>) src(%dma_wait3A_234 : memref<80xi32, #tpu.memory_space<hbm>>) dst(%arg24 : memref<80xi32, #tpu.memory_space<vmem>>)
      %dma_start3A_235 = arith.constant 0 : i32
      %dma_start3A_236 = arith.constant 0 : i32
      %dma_start3A_237 = tpu.memref_slice %arg2[%dma_start3A_235, %dma_start3A_236] : memref<10000x128xf32, #tpu.memory_space<hbm>> -> memref<10000x128xf32, #tpu.memory_space<hbm>>
      tpu.enqueue_indirect_dma source(%dma_start3A_237 : memref<10000x128xf32, #tpu.memory_space<hbm>>) target(%arg26 : memref<80x128xf32, #tpu.memory_space<vmem>>) offsets(%arg22 : memref<80xi32, #tpu.memory_space<vmem>>) semaphore(%arg34 : memref<!tpu.dma_semaphore, #tpu.memory_space<semaphore_mem>>)
      %dma_start3A_238 = arith.constant 0 : i32
      %dma_start3A_239 = arith.constant 0 : i32
      %dma_start3A_240 = tpu.memref_slice %arg6[%dma_start3A_238, %dma_start3A_239] : memref<64x32xf32, #tpu.memory_space<hbm>> -> memref<64x32xf32, #tpu.memory_space<hbm>>
      tpu.enqueue_indirect_dma source(%dma_start3A_240 : memref<64x32xf32, #tpu.memory_space<hbm>>) target(%arg28 : memref<80x32xf32, #tpu.memory_space<vmem>>) offsets(%arg24 : memref<80xi32, #tpu.memory_space<vmem>>) semaphore(%arg36 : memref<!tpu.dma_semaphore, #tpu.memory_space<semaphore_mem>>)
      %dma_wait3A_241 = arith.constant 0 : i32
      %dma_wait3A_242 = arith.constant 0 : i32
      %dma_wait3A_243 = tpu.memref_slice %arg2[%dma_wait3A_241, %dma_wait3A_242] : memref<10000x128xf32, #tpu.memory_space<hbm>> -> memref<10000x128xf32, #tpu.memory_space<hbm>>
      tpu.wait_indirect_dma semaphore(%arg33 : memref<!tpu.dma_semaphore, #tpu.memory_space<semaphore_mem>>) src(%dma_wait3A_243 : memref<10000x128xf32, #tpu.memory_space<hbm>>) dst(%arg25 : memref<80x128xf32, #tpu.memory_space<vmem>>)
      %dma_wait3A_244 = arith.constant 0 : i32
      %dma_wait3A_245 = arith.constant 0 : i32
      %dma_wait3A_246 = tpu.memref_slice %arg6[%dma_wait3A_244, %dma_wait3A_245] : memref<64x32xf32, #tpu.memory_space<hbm>> -> memref<64x32xf32, #tpu.memory_space<hbm>>
      tpu.wait_indirect_dma semaphore(%arg35 : memref<!tpu.dma_semaphore, #tpu.memory_space<semaphore_mem>>) src(%dma_wait3A_246 : memref<64x32xf32, #tpu.memory_space<hbm>>) dst(%arg27 : memref<80x32xf32, #tpu.memory_space<vmem>>)
      %dma_start3A_247 = arith.constant 0 : i32
      %dma_start3A_248 = arith.constant 0 : i32
      %dma_start3A_249 = tpu.memref_slice %arg11[%dma_start3A_247, %dma_start3A_248] : memref<10000x128xf32, #tpu.memory_space<vmem_shared>> -> memref<10000x128xf32, #tpu.memory_space<vmem_shared>>
      tpu.enqueue_indirect_dma source(%arg25 : memref<80x128xf32, #tpu.memory_space<vmem>>) target(%dma_start3A_249 : memref<10000x128xf32, #tpu.memory_space<vmem_shared>>) offsets(%arg20 : memref<80xi32, #tpu.memory_space<vmem>>) semaphore(%arg37 : memref<!tpu.dma_semaphore, #tpu.memory_space<semaphore_mem>>) {add = true}
      %dma_start3A_250 = arith.constant 0 : i32
      %dma_start3A_251 = arith.constant 0 : i32
      %dma_start3A_252 = tpu.memref_slice %arg12[%dma_start3A_250, %dma_start3A_251] : memref<10000x32xf32, #tpu.memory_space<vmem_shared>> -> memref<10000x32xf32, #tpu.memory_space<vmem_shared>>
      tpu.enqueue_indirect_dma source(%arg27 : memref<80x32xf32, #tpu.memory_space<vmem>>) target(%dma_start3A_252 : memref<10000x32xf32, #tpu.memory_space<vmem_shared>>) offsets(%arg20 : memref<80xi32, #tpu.memory_space<vmem>>) semaphore(%arg38 : memref<!tpu.dma_semaphore, #tpu.memory_space<semaphore_mem>>) {add = true}
      %dma_wait3A_253 = arith.constant 0 : i32
      %dma_wait3A_254 = arith.constant 0 : i32
      %dma_wait3A_255 = tpu.memref_slice %arg11[%dma_wait3A_253, %dma_wait3A_254] : memref<10000x128xf32, #tpu.memory_space<vmem_shared>> -> memref<10000x128xf32, #tpu.memory_space<vmem_shared>>
      tpu.wait_indirect_dma semaphore(%arg37 : memref<!tpu.dma_semaphore, #tpu.memory_space<semaphore_mem>>) src(%arg25 : memref<80x128xf32, #tpu.memory_space<vmem>>) dst(%dma_wait3A_255 : memref<10000x128xf32, #tpu.memory_space<vmem_shared>>)
      %dma_wait3A_256 = arith.constant 0 : i32
      %dma_wait3A_257 = arith.constant 0 : i32
      %dma_wait3A_258 = tpu.memref_slice %arg12[%dma_wait3A_256, %dma_wait3A_257] : memref<10000x32xf32, #tpu.memory_space<vmem_shared>> -> memref<10000x32xf32, #tpu.memory_space<vmem_shared>>
      tpu.wait_indirect_dma semaphore(%arg38 : memref<!tpu.dma_semaphore, #tpu.memory_space<semaphore_mem>>) src(%arg27 : memref<80x32xf32, #tpu.memory_space<vmem>>) dst(%dma_wait3A_258 : memref<10000x32xf32, #tpu.memory_space<vmem_shared>>)
      %add3A_259 = arith.constant 6 : i32
      %add3A_260 = arith.addi %mul3A_125, %add3A_259 : i32
      %min3A_261 = arith.constant 124 : i32
      %min3A_262 = arith.minsi %add3A_260, %min3A_261 : i32
      %mul3A_263 = arith.constant 80 : i32
      %mul3A_264 = arith.muli %min3A_262, %mul3A_263 : i32
      %add3A_265 = arith.addi %mul3A_4, %mul3A_264 : i32
      %dma_start3A_266 = tpu.memref_slice %arg3[%add3A_265] : memref<320000xi32, #tpu.memory_space<hbm>> -> memref<80xi32, #tpu.memory_space<hbm>>
      %dma_start3A_267 = tpu.memref_slice %arg3[%add3A_265] : memref<320000xi32, #tpu.memory_space<hbm>> -> memref<80xi32, #tpu.memory_space<hbm>>
      tpu.enqueue_dma source(%dma_start3A_267 : memref<80xi32, #tpu.memory_space<hbm>>) target(%arg19 : memref<80xi32, #tpu.memory_space<vmem>>) target_semaphore(%arg31 : memref<!tpu.dma_semaphore, #tpu.memory_space<semaphore_mem>>)
      %dma_start3A_268 = tpu.memref_slice %arg4[%add3A_265] : memref<320000xi32, #tpu.memory_space<hbm>> -> memref<80xi32, #tpu.memory_space<hbm>>
      %dma_start3A_269 = tpu.memref_slice %arg4[%add3A_265] : memref<320000xi32, #tpu.memory_space<hbm>> -> memref<80xi32, #tpu.memory_space<hbm>>
      tpu.enqueue_dma source(%dma_start3A_269 : memref<80xi32, #tpu.memory_space<hbm>>) target(%arg20 : memref<80xi32, #tpu.memory_space<vmem>>) target_semaphore(%arg31 : memref<!tpu.dma_semaphore, #tpu.memory_space<semaphore_mem>>)
      %dma_start3A_270 = tpu.memref_slice %arg5[%add3A_265] : memref<320000xi32, #tpu.memory_space<hbm>> -> memref<80xi32, #tpu.memory_space<hbm>>
      %dma_start3A_271 = tpu.memref_slice %arg5[%add3A_265] : memref<320000xi32, #tpu.memory_space<hbm>> -> memref<80xi32, #tpu.memory_space<hbm>>
      tpu.enqueue_dma source(%dma_start3A_271 : memref<80xi32, #tpu.memory_space<hbm>>) target(%arg21 : memref<80xi32, #tpu.memory_space<vmem>>) target_semaphore(%arg31 : memref<!tpu.dma_semaphore, #tpu.memory_space<semaphore_mem>>)
      %dma_wait3A_272 = arith.constant 0 : i32
      %dma_wait3A_273 = tpu.memref_slice %arg3[%dma_wait3A_272] : memref<320000xi32, #tpu.memory_space<hbm>> -> memref<80xi32, #tpu.memory_space<hbm>>
      %dma_wait3A_274 = arith.constant 0 : i32
      %dma_wait3A_275 = tpu.memref_slice %arg3[%dma_wait3A_274] : memref<320000xi32, #tpu.memory_space<hbm>> -> memref<80xi32, #tpu.memory_space<hbm>>
      tpu.wait_dma2 semaphore(%arg29 : memref<!tpu.dma_semaphore, #tpu.memory_space<semaphore_mem>>) src(%dma_wait3A_275 : memref<80xi32, #tpu.memory_space<hbm>>) dst(%arg13 : memref<80xi32, #tpu.memory_space<vmem>>)
      %dma_wait3A_276 = arith.constant 0 : i32
      %dma_wait3A_277 = tpu.memref_slice %arg3[%dma_wait3A_276] : memref<320000xi32, #tpu.memory_space<hbm>> -> memref<80xi32, #tpu.memory_space<hbm>>
      %dma_wait3A_278 = arith.constant 0 : i32
      %dma_wait3A_279 = tpu.memref_slice %arg3[%dma_wait3A_278] : memref<320000xi32, #tpu.memory_space<hbm>> -> memref<80xi32, #tpu.memory_space<hbm>>
      tpu.wait_dma2 semaphore(%arg29 : memref<!tpu.dma_semaphore, #tpu.memory_space<semaphore_mem>>) src(%dma_wait3A_279 : memref<80xi32, #tpu.memory_space<hbm>>) dst(%arg14 : memref<80xi32, #tpu.memory_space<vmem>>)
      %dma_wait3A_280 = arith.constant 0 : i32
      %dma_wait3A_281 = tpu.memref_slice %arg3[%dma_wait3A_280] : memref<320000xi32, #tpu.memory_space<hbm>> -> memref<80xi32, #tpu.memory_space<hbm>>
      %dma_wait3A_282 = arith.constant 0 : i32
      %dma_wait3A_283 = tpu.memref_slice %arg3[%dma_wait3A_282] : memref<320000xi32, #tpu.memory_space<hbm>> -> memref<80xi32, #tpu.memory_space<hbm>>
      tpu.wait_dma2 semaphore(%arg29 : memref<!tpu.dma_semaphore, #tpu.memory_space<semaphore_mem>>) src(%dma_wait3A_283 : memref<80xi32, #tpu.memory_space<hbm>>) dst(%arg15 : memref<80xi32, #tpu.memory_space<vmem>>)
      %dma_start3A_284 = arith.constant 0 : i32
      %dma_start3A_285 = arith.constant 0 : i32
      %dma_start3A_286 = tpu.memref_slice %arg2[%dma_start3A_284, %dma_start3A_285] : memref<10000x128xf32, #tpu.memory_space<hbm>> -> memref<10000x128xf32, #tpu.memory_space<hbm>>
      tpu.enqueue_indirect_dma source(%dma_start3A_286 : memref<10000x128xf32, #tpu.memory_space<hbm>>) target(%arg25 : memref<80x128xf32, #tpu.memory_space<vmem>>) offsets(%arg13 : memref<80xi32, #tpu.memory_space<vmem>>) semaphore(%arg33 : memref<!tpu.dma_semaphore, #tpu.memory_space<semaphore_mem>>)
      %dma_start3A_287 = arith.constant 0 : i32
      %dma_start3A_288 = arith.constant 0 : i32
      %dma_start3A_289 = tpu.memref_slice %arg6[%dma_start3A_287, %dma_start3A_288] : memref<64x32xf32, #tpu.memory_space<hbm>> -> memref<64x32xf32, #tpu.memory_space<hbm>>
      tpu.enqueue_indirect_dma source(%dma_start3A_289 : memref<64x32xf32, #tpu.memory_space<hbm>>) target(%arg27 : memref<80x32xf32, #tpu.memory_space<vmem>>) offsets(%arg15 : memref<80xi32, #tpu.memory_space<vmem>>) semaphore(%arg35 : memref<!tpu.dma_semaphore, #tpu.memory_space<semaphore_mem>>)
      %dma_wait3A_290 = arith.constant 0 : i32
      %dma_wait3A_291 = arith.constant 0 : i32
      %dma_wait3A_292 = tpu.memref_slice %arg2[%dma_wait3A_290, %dma_wait3A_291] : memref<10000x128xf32, #tpu.memory_space<hbm>> -> memref<10000x128xf32, #tpu.memory_space<hbm>>
      tpu.wait_indirect_dma semaphore(%arg34 : memref<!tpu.dma_semaphore, #tpu.memory_space<semaphore_mem>>) src(%dma_wait3A_292 : memref<10000x128xf32, #tpu.memory_space<hbm>>) dst(%arg26 : memref<80x128xf32, #tpu.memory_space<vmem>>)
      %dma_wait3A_293 = arith.constant 0 : i32
      %dma_wait3A_294 = arith.constant 0 : i32
      %dma_wait3A_295 = tpu.memref_slice %arg6[%dma_wait3A_293, %dma_wait3A_294] : memref<64x32xf32, #tpu.memory_space<hbm>> -> memref<64x32xf32, #tpu.memory_space<hbm>>
      tpu.wait_indirect_dma semaphore(%arg36 : memref<!tpu.dma_semaphore, #tpu.memory_space<semaphore_mem>>) src(%dma_wait3A_295 : memref<64x32xf32, #tpu.memory_space<hbm>>) dst(%arg28 : memref<80x32xf32, #tpu.memory_space<vmem>>)
      %dma_start3A_296 = arith.constant 0 : i32
      %dma_start3A_297 = arith.constant 0 : i32
      %dma_start3A_298 = tpu.memref_slice %arg11[%dma_start3A_296, %dma_start3A_297] : memref<10000x128xf32, #tpu.memory_space<vmem_shared>> -> memref<10000x128xf32, #tpu.memory_space<vmem_shared>>
      tpu.enqueue_indirect_dma source(%arg26 : memref<80x128xf32, #tpu.memory_space<vmem>>) target(%dma_start3A_298 : memref<10000x128xf32, #tpu.memory_space<vmem_shared>>) offsets(%arg23 : memref<80xi32, #tpu.memory_space<vmem>>) semaphore(%arg37 : memref<!tpu.dma_semaphore, #tpu.memory_space<semaphore_mem>>) {add = true}
      %dma_start3A_299 = arith.constant 0 : i32
      %dma_start3A_300 = arith.constant 0 : i32
      %dma_start3A_301 = tpu.memref_slice %arg12[%dma_start3A_299, %dma_start3A_300] : memref<10000x32xf32, #tpu.memory_space<vmem_shared>> -> memref<10000x32xf32, #tpu.memory_space<vmem_shared>>
      tpu.enqueue_indirect_dma source(%arg28 : memref<80x32xf32, #tpu.memory_space<vmem>>) target(%dma_start3A_301 : memref<10000x32xf32, #tpu.memory_space<vmem_shared>>) offsets(%arg23 : memref<80xi32, #tpu.memory_space<vmem>>) semaphore(%arg38 : memref<!tpu.dma_semaphore, #tpu.memory_space<semaphore_mem>>) {add = true}
      %dma_wait3A_302 = arith.constant 0 : i32
      %dma_wait3A_303 = arith.constant 0 : i32
      %dma_wait3A_304 = tpu.memref_slice %arg11[%dma_wait3A_302, %dma_wait3A_303] : memref<10000x128xf32, #tpu.memory_space<vmem_shared>> -> memref<10000x128xf32, #tpu.memory_space<vmem_shared>>
      tpu.wait_indirect_dma semaphore(%arg37 : memref<!tpu.dma_semaphore, #tpu.memory_space<semaphore_mem>>) src(%arg26 : memref<80x128xf32, #tpu.memory_space<vmem>>) dst(%dma_wait3A_304 : memref<10000x128xf32, #tpu.memory_space<vmem_shared>>)
      %dma_wait3A_305 = arith.constant 0 : i32
      %dma_wait3A_306 = arith.constant 0 : i32
      %dma_wait3A_307 = tpu.memref_slice %arg12[%dma_wait3A_305, %dma_wait3A_306] : memref<10000x32xf32, #tpu.memory_space<vmem_shared>> -> memref<10000x32xf32, #tpu.memory_space<vmem_shared>>
      tpu.wait_indirect_dma semaphore(%arg38 : memref<!tpu.dma_semaphore, #tpu.memory_space<semaphore_mem>>) src(%arg28 : memref<80x32xf32, #tpu.memory_space<vmem>>) dst(%dma_wait3A_307 : memref<10000x32xf32, #tpu.memory_space<vmem_shared>>)
      %add3A_308 = arith.constant 7 : i32
      %add3A_309 = arith.addi %mul3A_125, %add3A_308 : i32
      %min3A_310 = arith.constant 124 : i32
      %min3A_311 = arith.minsi %add3A_309, %min3A_310 : i32
      %mul3A_312 = arith.constant 80 : i32
      %mul3A_313 = arith.muli %min3A_311, %mul3A_312 : i32
      %add3A_314 = arith.addi %mul3A_4, %mul3A_313 : i32
      %dma_start3A_315 = tpu.memref_slice %arg3[%add3A_314] : memref<320000xi32, #tpu.memory_space<hbm>> -> memref<80xi32, #tpu.memory_space<hbm>>
      %dma_start3A_316 = tpu.memref_slice %arg3[%add3A_314] : memref<320000xi32, #tpu.memory_space<hbm>> -> memref<80xi32, #tpu.memory_space<hbm>>
      tpu.enqueue_dma source(%dma_start3A_316 : memref<80xi32, #tpu.memory_space<hbm>>) target(%arg22 : memref<80xi32, #tpu.memory_space<vmem>>) target_semaphore(%arg32 : memref<!tpu.dma_semaphore, #tpu.memory_space<semaphore_mem>>)
      %dma_start3A_317 = tpu.memref_slice %arg4[%add3A_314] : memref<320000xi32, #tpu.memory_space<hbm>> -> memref<80xi32, #tpu.memory_space<hbm>>
      %dma_start3A_318 = tpu.memref_slice %arg4[%add3A_314] : memref<320000xi32, #tpu.memory_space<hbm>> -> memref<80xi32, #tpu.memory_space<hbm>>
      tpu.enqueue_dma source(%dma_start3A_318 : memref<80xi32, #tpu.memory_space<hbm>>) target(%arg23 : memref<80xi32, #tpu.memory_space<vmem>>) target_semaphore(%arg32 : memref<!tpu.dma_semaphore, #tpu.memory_space<semaphore_mem>>)
      %dma_start3A_319 = tpu.memref_slice %arg5[%add3A_314] : memref<320000xi32, #tpu.memory_space<hbm>> -> memref<80xi32, #tpu.memory_space<hbm>>
      %dma_start3A_320 = tpu.memref_slice %arg5[%add3A_314] : memref<320000xi32, #tpu.memory_space<hbm>> -> memref<80xi32, #tpu.memory_space<hbm>>
      tpu.enqueue_dma source(%dma_start3A_320 : memref<80xi32, #tpu.memory_space<hbm>>) target(%arg24 : memref<80xi32, #tpu.memory_space<vmem>>) target_semaphore(%arg32 : memref<!tpu.dma_semaphore, #tpu.memory_space<semaphore_mem>>)
    }
    %scan3A_59 = arith.constant 31 : i32
    %dma_wait3A_60 = arith.constant 0 : i32
    %dma_wait3A_61 = tpu.memref_slice %arg3[%dma_wait3A_60] : memref<320000xi32, #tpu.memory_space<hbm>> -> memref<80xi32, #tpu.memory_space<hbm>>
    %dma_wait3A_62 = arith.constant 0 : i32
    %dma_wait3A_63 = tpu.memref_slice %arg3[%dma_wait3A_62] : memref<320000xi32, #tpu.memory_space<hbm>> -> memref<80xi32, #tpu.memory_space<hbm>>
    tpu.wait_dma2 semaphore(%arg30 : memref<!tpu.dma_semaphore, #tpu.memory_space<semaphore_mem>>) src(%dma_wait3A_63 : memref<80xi32, #tpu.memory_space<hbm>>) dst(%arg16 : memref<80xi32, #tpu.memory_space<vmem>>)
    %dma_wait3A_64 = arith.constant 0 : i32
    %dma_wait3A_65 = tpu.memref_slice %arg3[%dma_wait3A_64] : memref<320000xi32, #tpu.memory_space<hbm>> -> memref<80xi32, #tpu.memory_space<hbm>>
    %dma_wait3A_66 = arith.constant 0 : i32
    %dma_wait3A_67 = tpu.memref_slice %arg3[%dma_wait3A_66] : memref<320000xi32, #tpu.memory_space<hbm>> -> memref<80xi32, #tpu.memory_space<hbm>>
    tpu.wait_dma2 semaphore(%arg30 : memref<!tpu.dma_semaphore, #tpu.memory_space<semaphore_mem>>) src(%dma_wait3A_67 : memref<80xi32, #tpu.memory_space<hbm>>) dst(%arg17 : memref<80xi32, #tpu.memory_space<vmem>>)
    %dma_wait3A_68 = arith.constant 0 : i32
    %dma_wait3A_69 = tpu.memref_slice %arg3[%dma_wait3A_68] : memref<320000xi32, #tpu.memory_space<hbm>> -> memref<80xi32, #tpu.memory_space<hbm>>
    %dma_wait3A_70 = arith.constant 0 : i32
    %dma_wait3A_71 = tpu.memref_slice %arg3[%dma_wait3A_70] : memref<320000xi32, #tpu.memory_space<hbm>> -> memref<80xi32, #tpu.memory_space<hbm>>
    tpu.wait_dma2 semaphore(%arg30 : memref<!tpu.dma_semaphore, #tpu.memory_space<semaphore_mem>>) src(%dma_wait3A_71 : memref<80xi32, #tpu.memory_space<hbm>>) dst(%arg18 : memref<80xi32, #tpu.memory_space<vmem>>)
    %dma_wait3A_72 = arith.constant 0 : i32
    %dma_wait3A_73 = tpu.memref_slice %arg3[%dma_wait3A_72] : memref<320000xi32, #tpu.memory_space<hbm>> -> memref<80xi32, #tpu.memory_space<hbm>>
    %dma_wait3A_74 = arith.constant 0 : i32
    %dma_wait3A_75 = tpu.memref_slice %arg3[%dma_wait3A_74] : memref<320000xi32, #tpu.memory_space<hbm>> -> memref<80xi32, #tpu.memory_space<hbm>>
    tpu.wait_dma2 semaphore(%arg31 : memref<!tpu.dma_semaphore, #tpu.memory_space<semaphore_mem>>) src(%dma_wait3A_75 : memref<80xi32, #tpu.memory_space<hbm>>) dst(%arg19 : memref<80xi32, #tpu.memory_space<vmem>>)
    %dma_wait3A_76 = arith.constant 0 : i32
    %dma_wait3A_77 = tpu.memref_slice %arg3[%dma_wait3A_76] : memref<320000xi32, #tpu.memory_space<hbm>> -> memref<80xi32, #tpu.memory_space<hbm>>
    %dma_wait3A_78 = arith.constant 0 : i32
    %dma_wait3A_79 = tpu.memref_slice %arg3[%dma_wait3A_78] : memref<320000xi32, #tpu.memory_space<hbm>> -> memref<80xi32, #tpu.memory_space<hbm>>
    tpu.wait_dma2 semaphore(%arg31 : memref<!tpu.dma_semaphore, #tpu.memory_space<semaphore_mem>>) src(%dma_wait3A_79 : memref<80xi32, #tpu.memory_space<hbm>>) dst(%arg20 : memref<80xi32, #tpu.memory_space<vmem>>)
    %dma_wait3A_80 = arith.constant 0 : i32
    %dma_wait3A_81 = tpu.memref_slice %arg3[%dma_wait3A_80] : memref<320000xi32, #tpu.memory_space<hbm>> -> memref<80xi32, #tpu.memory_space<hbm>>
    %dma_wait3A_82 = arith.constant 0 : i32
    %dma_wait3A_83 = tpu.memref_slice %arg3[%dma_wait3A_82] : memref<320000xi32, #tpu.memory_space<hbm>> -> memref<80xi32, #tpu.memory_space<hbm>>
    tpu.wait_dma2 semaphore(%arg31 : memref<!tpu.dma_semaphore, #tpu.memory_space<semaphore_mem>>) src(%dma_wait3A_83 : memref<80xi32, #tpu.memory_space<hbm>>) dst(%arg21 : memref<80xi32, #tpu.memory_space<vmem>>)
    %dma_wait3A_84 = arith.constant 0 : i32
    %dma_wait3A_85 = tpu.memref_slice %arg3[%dma_wait3A_84] : memref<320000xi32, #tpu.memory_space<hbm>> -> memref<80xi32, #tpu.memory_space<hbm>>
    %dma_wait3A_86 = arith.constant 0 : i32
    %dma_wait3A_87 = tpu.memref_slice %arg3[%dma_wait3A_86] : memref<320000xi32, #tpu.memory_space<hbm>> -> memref<80xi32, #tpu.memory_space<hbm>>
    tpu.wait_dma2 semaphore(%arg32 : memref<!tpu.dma_semaphore, #tpu.memory_space<semaphore_mem>>) src(%dma_wait3A_87 : memref<80xi32, #tpu.memory_space<hbm>>) dst(%arg22 : memref<80xi32, #tpu.memory_space<vmem>>)
    %dma_wait3A_88 = arith.constant 0 : i32
    %dma_wait3A_89 = tpu.memref_slice %arg3[%dma_wait3A_88] : memref<320000xi32, #tpu.memory_space<hbm>> -> memref<80xi32, #tpu.memory_space<hbm>>
    %dma_wait3A_90 = arith.constant 0 : i32
    %dma_wait3A_91 = tpu.memref_slice %arg3[%dma_wait3A_90] : memref<320000xi32, #tpu.memory_space<hbm>> -> memref<80xi32, #tpu.memory_space<hbm>>
    tpu.wait_dma2 semaphore(%arg32 : memref<!tpu.dma_semaphore, #tpu.memory_space<semaphore_mem>>) src(%dma_wait3A_91 : memref<80xi32, #tpu.memory_space<hbm>>) dst(%arg23 : memref<80xi32, #tpu.memory_space<vmem>>)
    %dma_wait3A_92 = arith.constant 0 : i32
    %dma_wait3A_93 = tpu.memref_slice %arg3[%dma_wait3A_92] : memref<320000xi32, #tpu.memory_space<hbm>> -> memref<80xi32, #tpu.memory_space<hbm>>
    %dma_wait3A_94 = arith.constant 0 : i32
    %dma_wait3A_95 = tpu.memref_slice %arg3[%dma_wait3A_94] : memref<320000xi32, #tpu.memory_space<hbm>> -> memref<80xi32, #tpu.memory_space<hbm>>
    tpu.wait_dma2 semaphore(%arg32 : memref<!tpu.dma_semaphore, #tpu.memory_space<semaphore_mem>>) src(%dma_wait3A_95 : memref<80xi32, #tpu.memory_space<hbm>>) dst(%arg24 : memref<80xi32, #tpu.memory_space<vmem>>)
    %dma_wait3A_96 = arith.constant 0 : i32
    %dma_wait3A_97 = arith.constant 0 : i32
    %dma_wait3A_98 = tpu.memref_slice %arg2[%dma_wait3A_96, %dma_wait3A_97] : memref<10000x128xf32, #tpu.memory_space<hbm>> -> memref<10000x128xf32, #tpu.memory_space<hbm>>
    tpu.wait_indirect_dma semaphore(%arg33 : memref<!tpu.dma_semaphore, #tpu.memory_space<semaphore_mem>>) src(%dma_wait3A_98 : memref<10000x128xf32, #tpu.memory_space<hbm>>) dst(%arg25 : memref<80x128xf32, #tpu.memory_space<vmem>>)
    %dma_wait3A_99 = arith.constant 0 : i32
    %dma_wait3A_100 = arith.constant 0 : i32
    %dma_wait3A_101 = tpu.memref_slice %arg6[%dma_wait3A_99, %dma_wait3A_100] : memref<64x32xf32, #tpu.memory_space<hbm>> -> memref<64x32xf32, #tpu.memory_space<hbm>>
    tpu.wait_indirect_dma semaphore(%arg35 : memref<!tpu.dma_semaphore, #tpu.memory_space<semaphore_mem>>) src(%dma_wait3A_101 : memref<64x32xf32, #tpu.memory_space<hbm>>) dst(%arg27 : memref<80x32xf32, #tpu.memory_space<vmem>>)
    %dma_start3A_102 = arith.constant 0 : i32
    %dma_start3A_103 = arith.constant 0 : i32
    %dma_start3A_104 = tpu.memref_slice %arg11[%dma_start3A_102, %dma_start3A_103] : memref<10000x128xf32, #tpu.memory_space<vmem_shared>> -> memref<10000x128xf32, #tpu.memory_space<vmem_shared>>
    tpu.enqueue_indirect_dma source(%arg25 : memref<80x128xf32, #tpu.memory_space<vmem>>) target(%dma_start3A_104 : memref<10000x128xf32, #tpu.memory_space<vmem_shared>>) offsets(%arg14 : memref<80xi32, #tpu.memory_space<vmem>>) semaphore(%arg37 : memref<!tpu.dma_semaphore, #tpu.memory_space<semaphore_mem>>) {add = true}
    %dma_start3A_105 = arith.constant 0 : i32
    %dma_start3A_106 = arith.constant 0 : i32
    %dma_start3A_107 = tpu.memref_slice %arg12[%dma_start3A_105, %dma_start3A_106] : memref<10000x32xf32, #tpu.memory_space<vmem_shared>> -> memref<10000x32xf32, #tpu.memory_space<vmem_shared>>
    tpu.enqueue_indirect_dma source(%arg27 : memref<80x32xf32, #tpu.memory_space<vmem>>) target(%dma_start3A_107 : memref<10000x32xf32, #tpu.memory_space<vmem_shared>>) offsets(%arg14 : memref<80xi32, #tpu.memory_space<vmem>>) semaphore(%arg38 : memref<!tpu.dma_semaphore, #tpu.memory_space<semaphore_mem>>) {add = true}
    %dma_wait3A_108 = arith.constant 0 : i32
    %dma_wait3A_109 = arith.constant 0 : i32
    %dma_wait3A_110 = tpu.memref_slice %arg11[%dma_wait3A_108, %dma_wait3A_109] : memref<10000x128xf32, #tpu.memory_space<vmem_shared>> -> memref<10000x128xf32, #tpu.memory_space<vmem_shared>>
    tpu.wait_indirect_dma semaphore(%arg37 : memref<!tpu.dma_semaphore, #tpu.memory_space<semaphore_mem>>) src(%arg25 : memref<80x128xf32, #tpu.memory_space<vmem>>) dst(%dma_wait3A_110 : memref<10000x128xf32, #tpu.memory_space<vmem_shared>>)
    %dma_wait3A_111 = arith.constant 0 : i32
    %dma_wait3A_112 = arith.constant 0 : i32
    %dma_wait3A_113 = tpu.memref_slice %arg12[%dma_wait3A_111, %dma_wait3A_112] : memref<10000x32xf32, #tpu.memory_space<vmem_shared>> -> memref<10000x32xf32, #tpu.memory_space<vmem_shared>>
    tpu.wait_indirect_dma semaphore(%arg38 : memref<!tpu.dma_semaphore, #tpu.memory_space<semaphore_mem>>) src(%arg27 : memref<80x32xf32, #tpu.memory_space<vmem>>) dst(%dma_wait3A_113 : memref<10000x32xf32, #tpu.memory_space<vmem_shared>>)
    %barrier3A_114 = arith.constant 0 : index
    tpu.barrier barrier_id(%barrier3A_114)
    %mul3A_115 = arith.constant 10000 : i32
    %mul3A_116 = arith.muli %arg0, %mul3A_115 : i32
    %add3A_117 = arith.addi %mul3A_116, %mul3A_2 : i32
    "tpu.region"() ({
      %run_scoped3A = tpu.sem_alloc : memref<!tpu.dma_semaphore, #tpu.memory_space<semaphore_mem>>
      %dma_start3A_123 = arith.constant 0 : i32
      %dma_start3A_124 = tpu.memref_slice %arg9[%add3A_117, %dma_start3A_123] : memref<20000x128xf32, #tpu.memory_space<hbm>> -> memref<624x128xf32, #tpu.memory_space<hbm>>
      %dma_start3A_125 = arith.constant 0 : i32
      %dma_start3A_126 = tpu.memref_slice %arg11[%mul3A_2, %dma_start3A_125] : memref<10000x128xf32, #tpu.memory_space<vmem_shared>> -> memref<624x128xf32, #tpu.memory_space<vmem_shared>>
      tpu.enqueue_dma source(%dma_start3A_126 : memref<624x128xf32, #tpu.memory_space<vmem_shared>>) target(%dma_start3A_124 : memref<624x128xf32, #tpu.memory_space<hbm>>) target_semaphore(%run_scoped3A : memref<!tpu.dma_semaphore, #tpu.memory_space<semaphore_mem>>)
      %dma_wait3A_127 = arith.constant 0 : i32
      %dma_wait3A_128 = tpu.memref_slice %arg9[%add3A_117, %dma_wait3A_127] : memref<20000x128xf32, #tpu.memory_space<hbm>> -> memref<624x128xf32, #tpu.memory_space<hbm>>
      %dma_wait3A_129 = arith.constant 0 : i32
      %dma_wait3A_130 = tpu.memref_slice %arg11[%mul3A_2, %dma_wait3A_129] : memref<10000x128xf32, #tpu.memory_space<vmem_shared>> -> memref<624x128xf32, #tpu.memory_space<vmem_shared>>
      tpu.wait_dma2 semaphore(%run_scoped3A : memref<!tpu.dma_semaphore, #tpu.memory_space<semaphore_mem>>) src(%dma_wait3A_130 : memref<624x128xf32, #tpu.memory_space<vmem_shared>>) dst(%dma_wait3A_128 : memref<624x128xf32, #tpu.memory_space<hbm>>)
      tpu.yield
    }) : () -> ()
    "tpu.region"() ({
      %run_scoped3A = tpu.sem_alloc : memref<!tpu.dma_semaphore, #tpu.memory_space<semaphore_mem>>
      %dma_start3A_123 = arith.constant 0 : i32
      %dma_start3A_124 = tpu.memref_slice %arg10[%add3A_117, %dma_start3A_123] : memref<20000x32xf32, #tpu.memory_space<hbm>> -> memref<624x32xf32, #tpu.memory_space<hbm>>
      %dma_start3A_125 = arith.constant 0 : i32
      %dma_start3A_126 = tpu.memref_slice %arg12[%mul3A_2, %dma_start3A_125] : memref<10000x32xf32, #tpu.memory_space<vmem_shared>> -> memref<624x32xf32, #tpu.memory_space<vmem_shared>>
      tpu.enqueue_dma source(%dma_start3A_126 : memref<624x32xf32, #tpu.memory_space<vmem_shared>>) target(%dma_start3A_124 : memref<624x32xf32, #tpu.memory_space<hbm>>) target_semaphore(%run_scoped3A : memref<!tpu.dma_semaphore, #tpu.memory_space<semaphore_mem>>)
      %dma_wait3A_127 = arith.constant 0 : i32
      %dma_wait3A_128 = tpu.memref_slice %arg10[%add3A_117, %dma_wait3A_127] : memref<20000x32xf32, #tpu.memory_space<hbm>> -> memref<624x32xf32, #tpu.memory_space<hbm>>
      %dma_wait3A_129 = arith.constant 0 : i32
      %dma_wait3A_130 = tpu.memref_slice %arg12[%mul3A_2, %dma_wait3A_129] : memref<10000x32xf32, #tpu.memory_space<vmem_shared>> -> memref<624x32xf32, #tpu.memory_space<vmem_shared>>
      tpu.wait_dma2 semaphore(%run_scoped3A : memref<!tpu.dma_semaphore, #tpu.memory_space<semaphore_mem>>) src(%dma_wait3A_130 : memref<624x32xf32, #tpu.memory_space<vmem_shared>>) dst(%dma_wait3A_128 : memref<624x32xf32, #tpu.memory_space<hbm>>)
      tpu.yield
    }) : () -> ()
    %eq3A_118 = arith.constant 15 : i32
    %eq3A_119 = arith.cmpi eq, %arg1, %eq3A_118 : i32
    %convert_element_type3A_120 = arith.extui %eq3A_119 : i1 to i32
    %cond3A_121 = arith.constant 0 : i32
    %cond3A_122 = arith.cmpi ne, %convert_element_type3A_120, %cond3A_121 : i32
    scf.if %cond3A_122 {
      %mul3A_123 = arith.constant 10000 : i32
      %mul3A_124 = arith.muli %arg0, %mul3A_123 : i32
      %add3A_125 = arith.constant 9984 : i32
      %add3A_126 = arith.addi %mul3A_124, %add3A_125 : i32
      "tpu.region"() ({
        %run_scoped3A = tpu.sem_alloc : memref<!tpu.dma_semaphore, #tpu.memory_space<semaphore_mem>>
        %dma_start3A_131 = arith.constant 0 : i32
        %dma_start3A_132 = tpu.memref_slice %arg9[%add3A_126, %dma_start3A_131] : memref<20000x128xf32, #tpu.memory_space<hbm>> -> memref<16x128xf32, #tpu.memory_space<hbm>>
        %dma_start3A_133 = arith.constant 9984 : i32
        %dma_start3A_134 = arith.constant 0 : i32
        %dma_start3A_135 = tpu.memref_slice %arg11[%dma_start3A_133, %dma_start3A_134] : memref<10000x128xf32, #tpu.memory_space<vmem_shared>> -> memref<16x128xf32, #tpu.memory_space<vmem_shared>>
        tpu.enqueue_dma source(%dma_start3A_135 : memref<16x128xf32, #tpu.memory_space<vmem_shared>>) target(%dma_start3A_132 : memref<16x128xf32, #tpu.memory_space<hbm>>) target_semaphore(%run_scoped3A : memref<!tpu.dma_semaphore, #tpu.memory_space<semaphore_mem>>)
        %dma_wait3A_136 = arith.constant 0 : i32
        %dma_wait3A_137 = tpu.memref_slice %arg9[%add3A_126, %dma_wait3A_136] : memref<20000x128xf32, #tpu.memory_space<hbm>> -> memref<16x128xf32, #tpu.memory_space<hbm>>
        %dma_wait3A_138 = arith.constant 9984 : i32
        %dma_wait3A_139 = arith.constant 0 : i32
        %dma_wait3A_140 = tpu.memref_slice %arg11[%dma_wait3A_138, %dma_wait3A_139] : memref<10000x128xf32, #tpu.memory_space<vmem_shared>> -> memref<16x128xf32, #tpu.memory_space<vmem_shared>>
        tpu.wait_dma2 semaphore(%run_scoped3A : memref<!tpu.dma_semaphore, #tpu.memory_space<semaphore_mem>>) src(%dma_wait3A_140 : memref<16x128xf32, #tpu.memory_space<vmem_shared>>) dst(%dma_wait3A_137 : memref<16x128xf32, #tpu.memory_space<hbm>>)
        tpu.yield
      }) : () -> ()
      %mul3A_127 = arith.constant 10000 : i32
      %mul3A_128 = arith.muli %arg0, %mul3A_127 : i32
      %add3A_129 = arith.constant 9984 : i32
      %add3A_130 = arith.addi %mul3A_128, %add3A_129 : i32
      "tpu.region"() ({
        %run_scoped3A = tpu.sem_alloc : memref<!tpu.dma_semaphore, #tpu.memory_space<semaphore_mem>>
        %dma_start3A_131 = arith.constant 0 : i32
        %dma_start3A_132 = tpu.memref_slice %arg10[%add3A_130, %dma_start3A_131] : memref<20000x32xf32, #tpu.memory_space<hbm>> -> memref<16x32xf32, #tpu.memory_space<hbm>>
        %dma_start3A_133 = arith.constant 9984 : i32
        %dma_start3A_134 = arith.constant 0 : i32
        %dma_start3A_135 = tpu.memref_slice %arg12[%dma_start3A_133, %dma_start3A_134] : memref<10000x32xf32, #tpu.memory_space<vmem_shared>> -> memref<16x32xf32, #tpu.memory_space<vmem_shared>>
        tpu.enqueue_dma source(%dma_start3A_135 : memref<16x32xf32, #tpu.memory_space<vmem_shared>>) target(%dma_start3A_132 : memref<16x32xf32, #tpu.memory_space<hbm>>) target_semaphore(%run_scoped3A : memref<!tpu.dma_semaphore, #tpu.memory_space<semaphore_mem>>)
        %dma_wait3A_136 = arith.constant 0 : i32
        %dma_wait3A_137 = tpu.memref_slice %arg10[%add3A_130, %dma_wait3A_136] : memref<20000x32xf32, #tpu.memory_space<hbm>> -> memref<16x32xf32, #tpu.memory_space<hbm>>
        %dma_wait3A_138 = arith.constant 9984 : i32
        %dma_wait3A_139 = arith.constant 0 : i32
        %dma_wait3A_140 = tpu.memref_slice %arg12[%dma_wait3A_138, %dma_wait3A_139] : memref<10000x32xf32, #tpu.memory_space<vmem_shared>> -> memref<16x32xf32, #tpu.memory_space<vmem_shared>>
        tpu.wait_dma2 semaphore(%run_scoped3A : memref<!tpu.dma_semaphore, #tpu.memory_space<semaphore_mem>>) src(%dma_wait3A_140 : memref<16x32xf32, #tpu.memory_space<vmem_shared>>) dst(%dma_wait3A_137 : memref<16x32xf32, #tpu.memory_space<hbm>>)
        tpu.yield
      }) : () -> ()
    } else {
    }
    return
  }
}

module attributes {stable_mosaic.version = 14 : i64} {
  func.func @body(%arg0: i32, %arg1: memref<2000x128xf32, #tpu.memory_space<vmem>>, %arg2: memref<2000x128xf32, #tpu.memory_space<vmem>>, %arg3: memref<2000x128xf32, #tpu.memory_space<vmem>>, %arg4: memref<2000x32xf32, #tpu.memory_space<vmem>>, %arg5: memref<2000x32xf32, #tpu.memory_space<vmem>>, %arg6: memref<128x144xf32, #tpu.memory_space<vmem>>, %arg7: memref<1x128xf32, #tpu.memory_space<vmem>>, %arg8: memref<128x128xf32, #tpu.memory_space<vmem>>, %arg9: memref<1x128xf32, #tpu.memory_space<vmem>>, %arg10: memref<128x128xf32, #tpu.memory_space<vmem>>, %arg11: memref<1x128xf32, #tpu.memory_space<vmem>>, %arg12: memref<2000x128xf32, #tpu.memory_space<vmem>>) attributes {dimension_semantics = [#tpu.dimension_semantics<arbitrary>], iteration_bounds = array<i64: 5>, scalar_prefetch = 0 : i64, scratch_operands = 0 : i64, tpu.core_type = #tpu.core_type<tc>, window_params = [{transform_indices = @transform_0, window_bounds = array<i64: 2000, 128>}, {transform_indices = @transform_1, window_bounds = array<i64: 2000, 128>}, {transform_indices = @transform_2, window_bounds = array<i64: 2000, 128>}, {transform_indices = @transform_3, window_bounds = array<i64: 2000, 32>}, {transform_indices = @transform_4, window_bounds = array<i64: 2000, 32>}, {pipeline_mode = #tpu.pipeline_mode<synchronous>, transform_indices = @transform_5, window_bounds = array<i64: 128, 144>}, {pipeline_mode = #tpu.pipeline_mode<synchronous>, transform_indices = @transform_6, window_bounds = array<i64: 1, 128>}, {pipeline_mode = #tpu.pipeline_mode<synchronous>, transform_indices = @transform_7, window_bounds = array<i64: 128, 128>}, {pipeline_mode = #tpu.pipeline_mode<synchronous>, transform_indices = @transform_8, window_bounds = array<i64: 1, 128>}, {pipeline_mode = #tpu.pipeline_mode<synchronous>, transform_indices = @transform_9, window_bounds = array<i64: 128, 128>}, {pipeline_mode = #tpu.pipeline_mode<synchronous>, transform_indices = @transform_10, window_bounds = array<i64: 1, 128>}, {transform_indices = @transform_11, window_bounds = array<i64: 2000, 128>}]} {
    %get3A = arith.constant 0 : index
    %get3A_0 = arith.constant 0 : index
    %get3A_1 = vector.load %arg2[%get3A, %get3A_0] : memref<2000x128xf32, #tpu.memory_space<vmem>>, vector<2000x128xf32>
    %get3A_2 = arith.constant 0 : index
    %get3A_3 = arith.constant 0 : index
    %get3A_4 = vector.load %arg3[%get3A_2, %get3A_3] : memref<2000x128xf32, #tpu.memory_space<vmem>>, vector<2000x128xf32>
    %add3A = arith.addf %get3A_1, %get3A_4 : vector<2000x128xf32>
    %get3A_5 = arith.constant 0 : index
    %get3A_6 = arith.constant 0 : index
    %get3A_7 = vector.load %arg4[%get3A_5, %get3A_6] : memref<2000x32xf32, #tpu.memory_space<vmem>>, vector<2000x32xf32>
    %get3A_8 = arith.constant 0 : index
    %get3A_9 = arith.constant 0 : index
    %get3A_10 = vector.load %arg5[%get3A_8, %get3A_9] : memref<2000x32xf32, #tpu.memory_space<vmem>>, vector<2000x32xf32>
    %add3A_11 = arith.addf %get3A_7, %get3A_10 : vector<2000x32xf32>
    %slice3A = vector.extract_strided_slice %add3A_11 {offsets = [0, 16], sizes = [2000, 1], strides = [1, 1]} : vector<2000x32xf32> to vector<2000x1xf32>
    %get3A_12 = arith.constant 0 : index
    %get3A_13 = arith.constant 0 : index
    %get3A_14 = vector.load %arg6[%get3A_12, %get3A_13] : memref<128x144xf32, #tpu.memory_space<vmem>>, vector<128x144xf32>
    %slice3A_15 = vector.extract_strided_slice %get3A_14 {offsets = [0, 0], sizes = [128, 128], strides = [1, 1]} : vector<128x144xf32> to vector<128x128xf32>
    %dot_general3A = arith.constant dense<0.000000e+00> : vector<2000x128xf32>
    %dot_general3A_16 = tpu.matmul %add3A, %slice3A_15, %dot_general3A {dimension_numbers = #tpu.dot_dimension_numbers<[1], [1], [0], [0], [0, 0, 1, 0], [], []>, transpose_lhs_hint = false} : vector<2000x128xf32>, vector<128x128xf32>, vector<2000x128xf32> -> vector<2000x128xf32>
    %slice3A_17 = vector.extract_strided_slice %add3A_11 {offsets = [0, 0], sizes = [2000, 16], strides = [1, 1]} : vector<2000x32xf32> to vector<2000x16xf32>
    %slice3A_18 = vector.extract_strided_slice %get3A_14 {offsets = [0, 128], sizes = [128, 16], strides = [1, 1]} : vector<128x144xf32> to vector<128x16xf32>
    %dot_general3A_19 = arith.constant dense<0.000000e+00> : vector<2000x128xf32>
    %dot_general3A_20 = tpu.matmul %slice3A_17, %slice3A_18, %dot_general3A_19 {dimension_numbers = #tpu.dot_dimension_numbers<[1], [1], [0], [0], [0, 0, 1, 0], [], []>, transpose_lhs_hint = false} : vector<2000x16xf32>, vector<128x16xf32>, vector<2000x128xf32> -> vector<2000x128xf32>
    %add3A_21 = arith.addf %dot_general3A_16, %dot_general3A_20 : vector<2000x128xf32>
    %get3A_22 = arith.constant 0 : index
    %get3A_23 = arith.constant 0 : index
    %get3A_24 = vector.load %arg7[%get3A_22, %get3A_23] : memref<1x128xf32, #tpu.memory_space<vmem>>, vector<1x128xf32>
    %mul3A = vector.broadcast %slice3A : vector<2000x1xf32> to vector<2000x128xf32>
    %mul3A_25 = vector.broadcast %get3A_24 : vector<1x128xf32> to vector<2000x128xf32>
    %mul3A_26 = arith.mulf %mul3A, %mul3A_25 : vector<2000x128xf32>
    %add3A_27 = arith.addf %add3A_21, %mul3A_26 : vector<2000x128xf32>
    %max3A = arith.constant 1.000000e+00 : f32
    %max3A_28 = vector.broadcast %max3A : f32 to vector<2000x1xf32>
    %max3A_29 = arith.maximumf %slice3A, %max3A_28 : vector<2000x1xf32>
    %div3A = vector.broadcast %max3A_29 : vector<2000x1xf32> to vector<2000x128xf32>
    %div3A_30 = arith.divf %add3A_27, %div3A : vector<2000x128xf32>
    %get3A_31 = arith.constant 0 : index
    %get3A_32 = arith.constant 0 : index
    %get3A_33 = vector.load %arg1[%get3A_31, %get3A_32] : memref<2000x128xf32, #tpu.memory_space<vmem>>, vector<2000x128xf32>
    %get3A_34 = arith.constant 0 : index
    %get3A_35 = arith.constant 0 : index
    %get3A_36 = vector.load %arg8[%get3A_34, %get3A_35] : memref<128x128xf32, #tpu.memory_space<vmem>>, vector<128x128xf32>
    %dot_general3A_37 = arith.constant dense<0.000000e+00> : vector<2000x128xf32>
    %dot_general3A_38 = tpu.matmul %get3A_33, %get3A_36, %dot_general3A_37 {dimension_numbers = #tpu.dot_dimension_numbers<[1], [1], [0], [0], [0, 0, 1, 0], [], []>, transpose_lhs_hint = false} : vector<2000x128xf32>, vector<128x128xf32>, vector<2000x128xf32> -> vector<2000x128xf32>
    %get3A_39 = arith.constant 0 : index
    %get3A_40 = arith.constant 0 : index
    %get3A_41 = vector.load %arg10[%get3A_39, %get3A_40] : memref<128x128xf32, #tpu.memory_space<vmem>>, vector<128x128xf32>
    %dot_general3A_42 = arith.constant dense<0.000000e+00> : vector<2000x128xf32>
    %dot_general3A_43 = tpu.matmul %div3A_30, %get3A_41, %dot_general3A_42 {dimension_numbers = #tpu.dot_dimension_numbers<[1], [1], [0], [0], [0, 0, 1, 0], [], []>, transpose_lhs_hint = false} : vector<2000x128xf32>, vector<128x128xf32>, vector<2000x128xf32> -> vector<2000x128xf32>
    %add3A_44 = arith.addf %dot_general3A_38, %dot_general3A_43 : vector<2000x128xf32>
    %get3A_45 = arith.constant 0 : index
    %get3A_46 = arith.constant 0 : index
    %get3A_47 = vector.load %arg9[%get3A_45, %get3A_46] : memref<1x128xf32, #tpu.memory_space<vmem>>, vector<1x128xf32>
    %add3A_48 = vector.broadcast %get3A_47 : vector<1x128xf32> to vector<2000x128xf32>
    %add3A_49 = arith.addf %add3A_44, %add3A_48 : vector<2000x128xf32>
    %get3A_50 = arith.constant 0 : index
    %get3A_51 = arith.constant 0 : index
    %get3A_52 = vector.load %arg11[%get3A_50, %get3A_51] : memref<1x128xf32, #tpu.memory_space<vmem>>, vector<1x128xf32>
    %add3A_53 = vector.broadcast %get3A_52 : vector<1x128xf32> to vector<2000x128xf32>
    %add3A_54 = arith.addf %add3A_49, %add3A_53 : vector<2000x128xf32>
    %max3A_55 = arith.constant 0.000000e+00 : f32
    %max3A_56 = vector.broadcast %max3A_55 : f32 to vector<2000x128xf32>
    %max3A_57 = arith.maximumf %add3A_54, %max3A_56 : vector<2000x128xf32>
    %swap3A = arith.constant 0 : index
    %swap3A_58 = arith.constant 0 : index
    %swap3A_59 = vector.load %arg12[%swap3A, %swap3A_58] : memref<2000x128xf32, #tpu.memory_space<vmem>>, vector<2000x128xf32>
    tpu.vector_store %arg12[%swap3A, %swap3A_58], %max3A_57 {strides = array<i32>} : memref<2000x128xf32, #tpu.memory_space<vmem>>, vector<2000x128xf32>,
    return
  }
  func.func @transform_0(%arg0: i32) -> (i32, i32) {
    %c0_i32 = arith.constant 0 : i32
    %c0_i32_0 = arith.constant 0 : i32
    return %arg0, %c0_i32 : i32, i32
  }
  func.func @transform_1(%arg0: i32) -> (i32, i32) {
    %c0_i32 = arith.constant 0 : i32
    %c0_i32_0 = arith.constant 0 : i32
    return %arg0, %c0_i32 : i32, i32
  }
  func.func @transform_2(%arg0: i32) -> (i32, i32) {
    %add3A = arith.constant 5 : i32
    %add3A_0 = arith.addi %add3A, %arg0 : i32
    %c0_i32 = arith.constant 0 : i32
    %c0_i32_1 = arith.constant 0 : i32
    return %add3A_0, %c0_i32 : i32, i32
  }
  func.func @transform_3(%arg0: i32) -> (i32, i32) {
    %c0_i32 = arith.constant 0 : i32
    %c0_i32_0 = arith.constant 0 : i32
    return %arg0, %c0_i32 : i32, i32
  }
  func.func @transform_4(%arg0: i32) -> (i32, i32) {
    %add3A = arith.constant 5 : i32
    %add3A_0 = arith.addi %add3A, %arg0 : i32
    %c0_i32 = arith.constant 0 : i32
    %c0_i32_1 = arith.constant 0 : i32
    return %add3A_0, %c0_i32 : i32, i32
  }
  func.func @transform_5(%arg0: i32) -> (i32, i32) {
    %c0_i32 = arith.constant 0 : i32
    %c0_i32_0 = arith.constant 0 : i32
    %c0_i32_1 = arith.constant 0 : i32
    return %c0_i32, %c0_i32_0 : i32, i32
  }
  func.func @transform_6(%arg0: i32) -> (i32, i32) {
    %c0_i32 = arith.constant 0 : i32
    %c0_i32_0 = arith.constant 0 : i32
    %c0_i32_1 = arith.constant 0 : i32
    return %c0_i32, %c0_i32_0 : i32, i32
  }
  func.func @transform_7(%arg0: i32) -> (i32, i32) {
    %c0_i32 = arith.constant 0 : i32
    %c0_i32_0 = arith.constant 0 : i32
    %c0_i32_1 = arith.constant 0 : i32
    return %c0_i32, %c0_i32_0 : i32, i32
  }
  func.func @transform_8(%arg0: i32) -> (i32, i32) {
    %c0_i32 = arith.constant 0 : i32
    %c0_i32_0 = arith.constant 0 : i32
    %c0_i32_1 = arith.constant 0 : i32
    return %c0_i32, %c0_i32_0 : i32, i32
  }
  func.func @transform_9(%arg0: i32) -> (i32, i32) {
    %c0_i32 = arith.constant 0 : i32
    %c0_i32_0 = arith.constant 0 : i32
    %c0_i32_1 = arith.constant 0 : i32
    return %c0_i32, %c0_i32_0 : i32, i32
  }
  func.func @transform_10(%arg0: i32) -> (i32, i32) {
    %c0_i32 = arith.constant 0 : i32
    %c0_i32_0 = arith.constant 0 : i32
    %c0_i32_1 = arith.constant 0 : i32
    return %c0_i32, %c0_i32_0 : i32, i32
  }
  func.func @transform_11(%arg0: i32) -> (i32, i32) {
    %c0_i32 = arith.constant 0 : i32
    %c0_i32_0 = arith.constant 0 : i32
    return %arg0, %c0_i32 : i32, i32
  }
}

</mosaic_0001>

<sc_bundles>
// kernel: kernel.4.cloned.1.call-start
scs
__scs_entry_jumppad:
0x0: {  	(pc) =	sbr.rel $0x88, $3  }
0x1: {  	(tag) =	ssettag $0x0;
	lr =	simm.s32 $0x1  }
0x2: {  	[smem:$0x3F96] =	sst lr;
	_ =	strace $0xD0000000  }
0x3: {  	_ = 	snop  }
0x4: {  	_ = 	snop  }
0x5: {  	_ = 	snop  }
0x6: {  	_ = 	snop  }
0x7: {  	_ = 	snop  }
__scs_overlays_trampoline_lowered:
0x8: {  	[smem:$0x3FA5] =	sst s0  }
0x9: {  	[smem:$0x3FA6] =	sst s1  }
0xa: {  	[smem:$0x3FA7] =	sst s2  }
0xb: {  	[smem:$0x3FA8] =	sst s3  }
0xc: {  	[smem:$0x3FA9] =	sst s4  }
0xd: {  	[smem:$0x3FAA] =	sst s5  }
0xe: {  	[smem:$0x3FAB] =	sst s6  }
0xf: {  	[smem:$0x3FAC] =	sst s7  }
0x10: {  	[smem:$0x3FAD] =	sst s8  }
0x11: {  	[smem:$0x3FAE] =	sst s9;
	s0 =	simm.s32 @!p0 $0x0  }
0x12: {  	s1 =	sld [smem:$0x3F94];
	s0 =	simm.s32 @p0 $0x1  }
0x13: {  	[smem:$0x3FAF] =	sst s0;
	s0 =	simm.s32 @!p1 $0x0  }
0x14: {  	s2 =	sld [smem:$0x3F93];
	s0 =	simm.s32 @p1 $0x1  }
0x15: {  	[smem:$0x3FB0] =	sst s0;
	s0 =	simm.s32 @!p2 $0x0  }
0x16: {  	s3 =	sld [smem:$0x3FDB];
	s0 =	simm.s32 @p2 $0x1  }
0x17: {  	s4 =	simm.s32 $0x1BF5;
	[smem:$0x3FB2] =	sst s0  }
0x18: {  	s0 =	sld [smem:$0x3F95];
	_ =	swait.ge [sflag:s4], $0x0  }
0x19: {  	s7 =	sld [smem:$0x3F96]  }
0x1a: {  	s8 =	sadd.s32 $0xFFFFE003, lr  }
0x1b: {  	s9 =	sadd.s32 $0xFFFFFEF7, lr;
	s5 =	simm.s32 $0xFFFFFFFF;
	p2 =	slt.u32 s8, $0xFFFFF086  }
0x1c: {  	p1 =	slt.u32 s9, $0xF7A;
	s5 =	simm.s32 @!p2 $0x0  }
0x1d: {  	s5 =	simm.s32 @p1 $0x1;
	p0 =	seq.s32 s7, s2  }
0x1e: {  	s7 =	smul.u32 @!p0 $0xF7A, s2;
	p2 =	seq.s32 @!p0 s5, $0x0  }
0x1f: {  	s9 =	smul.u32 $0xF7A, s1;
	s8 =	simm.s32 @!p0 $0x1BF5;
	p2 =	por !p2, p0  }
0x20: {  	[sflag:s8] =	ssyncset.s32 @!p0 $0xFFFFF086;
	s6 =	sadd.s32 @!p0 s3, s7;
	s7 =	simm.s32 @!p0 $0x108  }
0x21: {  	s3 =	sadd.s32 s3, s9;
	s6 =	sadd.s32 @!p0 $0x88, s6;
	s7 =	simm.s32 @p2 $0x1082  }
0x22: {  	[simem:s7], [sflag:s8] =	dma.local @!p0 [hbm:s6], $0xF7A  }
0x23: {  	s9 =	sor.u32 $0xD0000000, s2;
	s6 =	simm.s32 $0x108;
	_ =	swait.ge @!p0 [sflag:s8], $0x0  }
0x24: {  	s3 =	sadd.s32 $0x88, s3;
	s6 =	simm.s32 @!p1 $0x1082;
	[sflag:s4] =	ssyncset.s32 $0xFFFFF086  }
0x25: {  	[simem:s6], [sflag:s4] =	dma.local [hbm:s3], $0xF7A  }
0x26: {  	[smem:$0x3F96] =	sst s1;
	(tag) =	ssettag s2;
	_ =	strace s9  }
0x27: {  	s1 =	sld [smem:$0x3FA6]  }
0x28: {  	s2 =	sld [smem:$0x3FA7]  }
0x29: {  	s4 =	sld [smem:$0x3FA9]  }
0x2a: {  	p0 =	seq.s32 s5, $0x0;
	s5 =	sld [smem:$0x3FAA]  }
0x2b: {  	s6 =	sld [smem:$0x3FAB]  }
0x2c: {  	s7 =	sld [smem:$0x3FAC]  }
0x2d: {  	s3 =	simm.s32 $0x108;
	s8 =	sld [smem:$0x3FAD]  }
0x2e: {  	s3 =	simm.s32 @!p0 $0x1082;
	s9 =	sld [smem:$0x3FAE]  }
0x2f: {  	lr =	sadd.s32 s0, s3;
	s0 =	sld [smem:$0x3FA5]  }
0x30: {  	s3 =	sld [smem:$0x3FA8]  }
0x31: {  	[smem:$0x3FB1] =	sst s10  }
0x32: {  	s10 =	sld [smem:$0x3FAF];
	_ =	sdelay $0x3  }
0x33: {  	p0 =	seq.s32 s10, $0x1;
	s10 =	sld [smem:$0x3FB1];
	_ =	sdelay $0x3  }
0x34: {  	[smem:$0x3FB1] =	sst s10  }
0x35: {  	s10 =	sld [smem:$0x3FB0];
	_ =	sdelay $0x3  }
0x36: {  	p1 =	seq.s32 s10, $0x1;
	s10 =	sld [smem:$0x3FB1];
	_ =	sdelay $0x3  }
0x37: {  	[smem:$0x3FB1] =	sst s10  }
0x38: {  	s10 =	sld [smem:$0x3FB2]  }
0x39: {  	_ = 	snop;
	(pc) =	sbr.ind lr, $3  }
0x3a: {  	_ = 	snop  }
0x3b: {  	_ = 	snop  }
0x3c: {  	p2 =	seq.s32 s10, $0x1;
	s10 =	sld [smem:$0x3FB1]  }
0x3d: {  	_ =	shalt  }
0x3e: {  	_ =	shalt  }
0x3f: {  	_ =	shalt  }
0x40: {  	_ =	shalt  }
0x41: {  	_ =	shalt  }
0x42: {  	_ =	shalt  }
0x43: {  	_ =	shalt  }
0x44: {  	_ =	shalt  }
0x45: {  	_ =	shalt  }
0x46: {  	_ =	shalt  }
0x47: {  	_ =	shalt  }
0x48: {  	_ =	shalt  }
0x49: {  	_ =	shalt  }
0x4a: {  	_ =	shalt  }
0x4b: {  	_ =	shalt  }
0x4c: {  	_ =	shalt  }
0x4d: {  	_ =	shalt  }
0x4e: {  	_ =	shalt  }
0x4f: {  	_ =	shalt  }
0x50: {  	_ =	shalt  }
0x51: {  	_ =	shalt  }
0x52: {  	_ =	shalt  }
0x53: {  	_ =	shalt  }
0x54: {  	_ =	shalt  }
0x55: {  	_ =	shalt  }
0x56: {  	_ =	shalt  }
0x57: {  	_ =	shalt  }
0x58: {  	_ =	shalt  }
0x59: {  	_ =	shalt  }
0x5a: {  	_ =	shalt  }
0x5b: {  	_ =	shalt  }
0x5c: {  	_ =	shalt  }
0x5d: {  	_ =	shalt  }
0x5e: {  	_ =	shalt  }
0x5f: {  	_ =	shalt  }
0x60: {  	_ =	shalt  }
0x61: {  	_ =	shalt  }
0x62: {  	_ =	shalt  }
0x63: {  	_ =	shalt  }
0x64: {  	_ =	shalt  }
0x65: {  	_ =	shalt  }
0x66: {  	_ =	shalt  }
0x67: {  	_ =	shalt  }
0x68: {  	_ =	shalt  }
0x69: {  	_ =	shalt  }
0x6a: {  	_ =	shalt  }
0x6b: {  	_ =	shalt  }
0x6c: {  	_ =	shalt  }
0x6d: {  	_ =	shalt  }
0x6e: {  	_ =	shalt  }
0x6f: {  	_ =	shalt  }
0x70: {  	_ =	shalt  }
0x71: {  	_ =	shalt  }
0x72: {  	_ =	shalt  }
0x73: {  	_ =	shalt  }
0x74: {  	_ =	shalt  }
0x75: {  	_ =	shalt  }
0x76: {  	_ =	shalt  }
0x77: {  	_ =	shalt  }
0x78: {  	_ =	shalt  }
0x79: {  	_ =	shalt  }
0x7a: {  	_ =	shalt  }
0x7b: {  	_ =	shalt  }
0x7c: {  	_ =	shalt  }
0x7d: {  	_ =	shalt  }
0x7e: {  	_ =	shalt  }
0x7f: {  	_ =	shalt  }
0x80: {  	_ =	shalt  }
0x81: {  	_ =	shalt  }
0x82: {  	_ =	shalt  }
0x83: {  	_ =	shalt  }
0x84: {  	_ =	shalt  }
0x85: {  	_ =	shalt  }
0x86: {  	_ =	shalt  }
0x87: {  	_ =	shalt  }
.Lfunc_end0:
.L_simem_size_0:
called_computation_lowered:
.L_overlay_start_0:
0x88: {  	s2 =	sld [smem:$0x3FD9]  }
0x89: {  	s3 =	sld [smem:$0x3FFE];
	_ =	sdelay $0x1  }
0x8a: {  	s1 =	srdreg.scid  }
0x8b: {  	s0 =	sand.u32 $0x1, s1  }
0x8c: {  	s17 =	sshll.u32 s0, $0xA;
	s2 =	sadd.s32 s3, s2  }
0x8d: {  	s2 =	sadd.s32 s2, s17  }
0x8e: {  	[smem:$0x3FBD] =	sst s2  }
0x8f: {  	_ = 	snop  }
0x90: {  	s2 =	sld [smem:$0x3FC9]  }
0x91: {  	s18 =	sld [smem:$0x3FC8]  }
0x92: {  	s4 =	sld [smem:$0x3FC7]  }
0x93: {  	s5 =	sld [smem:$0x3FC6]  }
0x94: {  	s6 =	sld [smem:$0x3FD0];
	(tm) =	ssettm $0x1  }
0x95: {  	s7 =	sld [smem:$0x3FFB];
	_ =	sdelay $0x3  }
0x96: {  	_ =	strace s7  }
0x97: {  	s7 =	sld [smem:$0x3FFC];
	_ =	sdelay $0x3  }
0x98: {  	_ =	strace s7  }
0x99: {  	s7 =	sld [smem:$0x3FFD];
	_ =	sdelay $0x3  }
0x9a: {  	_ =	strace s7  }
0x9b: {  	_ =	strace $0x8FFFFFFF  }
0x9c: {  	s19 =	sld [smem:$0x3FDB];
	_ =	sdelay $0x1  }
0x9d: {  	s8 =	simm.s32 $_scs_section_size  }
0x9e: {  	s9 =	simm.s32 $_size__tile_overlayer_lowered;
	s10 =	simm.s32 $_tile_overlayer_lowered  }
0x9f: {  	s22 =	simm.s32 $0x1BFF;
	s21 =	sshll.u32 s10, $0x1;
	s7 =	sadd.s32 s8, s19  }
0xa0: {  	s11 =	simm.s32 $0x0;
	s20 =	sshll.u32 s9, $0x1;
	s9 =	sadd.s32 s21, s7  }
0xa1: {  	[timem:s11], [sflag:s22] =	dma.local [hbm:s9], s20  }
0xa2: {  	_ =	swait.ge [sflag:s22], s20  }
0xa3: {  	s8 =	ssub.s32 $0x0, s20;
	[sflag:s22] =	ssyncset.done $0x0  }
0xa4: {  	[sflag:s22] =	ssyncadd.s32 s8;
	_ =	sdelay $0x1  }
0xa5: {  	s23 =	simm.s32 $0x1B8B  }
0xa6: {  	_ =	swait.ge [sflag:s23], $0x1  }
0xa7: {  	[sflag:s23] =	ssyncset.done $0x0  }
0xa8: {  	s25 =	simm.s32 $0x1B8E;
	s24 =	sld [smem:$0x3FFE];
	[sflag:s23] =	ssyncadd.s32 $0xFFFFFFFF  }
0xa9: {  	s26 =	simm.s32 $execute0_lowered;
	[smem:$0x3FD2] =	sst s25  }
0xaa: {  	s9 =	sshll.u32 s26, $0x1;
	_ =	strace $0x80000046;
	[dreg:$0x1] =	wrdreg $0xFFFFFFFF  }
0xab: {  	s28 =	simm.s32 $_size_execute0_lowered;
	s7 =	sadd.s32 s7, s9;
	[dreg:$0x0] =	wrdreg $0x0  }
0xac: {  	s9 =	sshll.u32 s28, $0x1;
	[dreg:$0x2] =	wrdreg s7  }
0xad: {  	[dreg:$0x3] =	wrdreg s9  }
0xae: {  	[dreg:$0x4] =	wrdreg $0xC0  }
0xaf: {  	_ =	task [dreg:s11], $0x5FFFF  }
0xb0: {  	[dreg:$0x1] =	wrdreg $0xFFFFFFFF  }
0xb1: {  	[dreg:$0x0] =	wrdreg $0x60  }
0xb2: {  	[dreg:$0x2] =	wrdreg s2  }
0xb3: {  	[dreg:$0x3] =	wrdreg s18  }
0xb4: {  	[dreg:$0x4] =	wrdreg s4  }
0xb5: {  	[dreg:$0x5] =	wrdreg s5  }
0xb6: {  	[dreg:$0x6] =	wrdreg s24  }
0xb7: {  	[dreg:$0x7] =	wrdreg s6  }
0xb8: {  	[dreg:$0x8] =	wrdreg $0x0  }
0xb9: {  	[dreg:$0x9] =	wrdreg $0x138800  }
0xba: {  	[dreg:$0xa] =	wrdreg $0x9  }
0xbb: {  	_ =	task.clear_ibuf [dreg:s11], $0xBFFFF;
	_ =	strace $0x90000046  }
0xbc: {  	s29 =	simm.s32 $0x9;
	_ =	strace $0x80000048  }
0xbd: {  	_ =	swait.ge [sflag:s29], $0x1  }
0xbe: {  	[sflag:s29] =	ssyncadd.s32 $0xFFFFFFFF  }
0xbf: {  	_ =	strace $0x90000048  }
0xc0: {  	_ =	sfence  }
0xc1: {  	s30 =	sld [smem:$0x0];
	_ =	sdelay $0x2  }
0xc2: {  	s31 =	sshll.u32 s1, $0xD;
	s1 =	sshrl.u32 s1, $0x2  }
0xc3: {  	s3 =	sand.u32 $0x4000, s31;
	s1 =	sadd.s32 s1, s30  }
0xc4: {  	s0 =	sor.u32 s3, s0;
	s1 =	sshll.u32 s1, $0x11  }
0xc5: {  	s0 =	sor.u32 s1, s0  }
0xc6: {  	s0 =	sadd.s32 $0x8F2B, s0  }
0xc7: {  	[sflag:s0] =	ssyncadd.remote.s32 $0x1  }
0xc8: {  	_ =	sfence.sel $0xFFFF  }
0xc9: {  	[dreg:$0x0] =	wrdreg $0xFFFFFFFF;
	(pc) =	sbr.abs _section_cstart, $3  }
0xca: {  	[dreg:$0x1] =	wrdreg $0xFFFFFFFF  }
0xcb: {  	_ =	task.clear_ibuf [dreg:s11], $0x2FFFF;
	_ =	strace $0x9FFFFFFF  }
0xcc: {  	(tm) =	ssettm $0x7FFFFFFF  }
0xcd: {  	_ =	shalt  }
tec
execute0_lowered:
.L_overlay_start_1:
0x0: {  	(tag) =	ssettag $0x1  }
0x1: {  	s0 =	rddreg [dreg:$0x1]  }
0x2: {  	s1 =	rddreg [dreg:$0x2]  }
0x3: {  	s2 =	rddreg [dreg:$0x3]  }
0x4: {  	s3 =	rddreg [dreg:$0x4]  }
0x5: {  	s7 =	rddreg [dreg:$0x5]  }
0x6: {  	s4 =	rddreg [dreg:$0x6]  }
0x7: {  	s5 =	rddreg [dreg:$0x7];
	s9 =	srdreg.scid;
	s8 =	simm.s32 $0x0  }
0x8: {  	s18 =	stileid.u32;
	s29 =	simm.s32 $0x50;
	s31 =	simm.s32 $0x1B260  }
0x9: {  	s30 =	simm.s32 $0xA;
	s10 =	sand.u32 $0x1, s9;
	[smem:$0x7FF] =	sst s8  }
0xa: {  	s6 =	sadd.s32 $0x1E00, s3;
	s13 =	sadd.s32 $0x2A00, s3;
	s9 =	sshll.u32 s10, $0x4  }
0xb: {  	s14 =	sadd.s32 $0x2000, s3;
	s28 =	smul.u32 $0x2710, s18;
	s11 =	sor.u32 s18, s9  }
0xc: {  	s3 =	sadd.s32 $0x5200, s3;
	p0 =	sne.s32 s18, $0xF;
	s11 =	smul.u32 $0x2710, s11  }
0xd: {  	_ =	strace $0x80000047;
	s12 =	ssub.s32 $0x2, s10;
	[dreg:$0xd] =	wrdreg s13  }
0xe: {  	[dreg:$0xe] =	wrdreg s14;
	s14 =	smul.u32 $0x270, s18;
	s19 =	sadd.s32 $0x190, s11  }
0xf: {  	s15 =	sshrl.u32 s12, $0x1;
	s20 =	sadd.s32 $0x1E0, s11;
	[dreg:$0x9] =	wrdreg s19  }
0x10: {  	s13 =	sshrl.u32 s11, $0x3;
	s11 =	sadd.s32 $0x230, s11;
	[dreg:$0xa] =	wrdreg s20  }
0x11: {  	s12 =	ssub.s32 s12, s15;
	s15 =	sadd.s32 s0, s13;
	[dreg:$0xb] =	wrdreg s11  }
0x12: {  	s16 =	sadd.s32 s1, s13;
	s20 =	smul.u32 $0x4E000, s18;
	[dreg:$0xf] =	wrdreg s15  }
0x13: {  	s17 =	sadd.s32 s2, s13;
	[dreg:$0x10] =	wrdreg s16;
	s16 =	smul.u32 $0x2710, s10  }
0x14: {  	[dreg:$0x11] =	wrdreg s17;
	s17 =	sadd.s32 $0xA, s13;
	s10 =	smul.u32 $0x27100, s10  }
0x15: {  	s15 =	sadd.s32 $0x14, s13;
	s21 =	sadd.s32 s0, s17;
	s9 =	sadd.s32 s2, s17  }
0x16: {  	s19 =	sadd.s32 s1, s15;
	s14 =	sadd.s32 s14, s16;
	[dreg:$0x12] =	wrdreg s21  }
0x17: {  	s24 =	sadd.s32 $0x2700, s16;
	[dreg:$0x18] =	wrdreg s9;
	s16 =	sadd.s32 $0x1E, s13  }
0x18: {  	[dreg:$0x1a] =	wrdreg s19;
	s22 =	sshll.u32 s14, $0x4;
	s21 =	sadd.s32 s0, s16  }
0x19: {  	s23 =	sshll.u32 s14, $0x2;
	s13 =	sadd.s32 s1, s16;
	[dreg:$0x1c] =	wrdreg s21  }
0x1a: {  	s14 =	sadd.s32 s28, s10;
	s10 =	sadd.s32 s2, s16;
	[dreg:$0x1d] =	wrdreg s13  }
0x1b: {  	s19 =	simm.s32 $0x4;
	s28 =	sadd.s32 $0x4E000, s5;
	[dreg:$0x1e] =	wrdreg s10  }
0x1c: {  	s25 =	sshll.u32 s24, $0x4;
	s11 =	sadd.s32 s3, s22;
	[smem:$0x7FC] =	sst s28  }
0x1d: {  	s26 =	sshll.u32 s24, $0x2;
	s3 =	sadd.s32 s3, s25;
	[dreg:$0x13] =	wrdreg s11  }
0x1e: {  	s24 =	sshll.u32 s18, $0x6;
	s25 =	smax.u32 s12, $0x1;
	[dreg:$0x15] =	wrdreg s3  }
0x1f: {  	s16 =	simm.s32 $0x1;
	s11 =	sadd.s32 s7, s23;
	[smem:$0x7F9] =	sst s25  }
0x20: {  	s22 =	smul.u32 $0x13800, s18;
	s3 =	sadd.s32 s7, s26;
	[dreg:$0x14] =	wrdreg s11  }
0x21: {  	s18 =	simm.s32 $0x18740;
	s7 =	sadd.s32 s1, s17;
	[dreg:$0x16] =	wrdreg s3  }
0x22: {  	s12 =	simm.s32 $0x2;
	s17 =	sadd.s32 s0, s15;
	[dreg:$0x17] =	wrdreg s7  }
0x23: {  	s23 =	sshrl.u32 s20, $0x2;
	s26 =	sadd.s32 $0x138000, s4;
	[dreg:$0x19] =	wrdreg s17  }
0x24: {  	s20 =	simm.s32 $0x186A0;
	s7 =	sadd.s32 s2, s15;
	[smem:$0x7FB] =	sst s26  }
0x25: {  	s0 =	simm.s32 $0x0;
	s10 =	sadd.s32 s23, s4;
	[dreg:$0x1b] =	wrdreg s7  }
0x26: {  	s23 =	sor.u32 $0x1C0B, s24;
	s3 =	sadd.s32 $0x140, s14;
	[dreg:$0x1f] =	wrdreg s10  }
0x27: {  	s2 =	simm.s32 $0xB;
	s7 =	sshrl.u32 s22, $0x2;
	[smem:$0x7FA] =	sst s3  }
0x28: {  	s26 =	simm.s32 $0x9;
	[smem:$0x7FD] =	sst s23;
	s7 =	sadd.s32 s7, s5  }
0x29: {  	s14 =	simm.s32 $0x3;
	[smem:$0x7F8] =	sst s7;
	s7 =	smov.u32 s6  }
0x2a: {  	s22 =	simm.s32 $0x18790;
	s10 =	simm.s32 $0x1E460;
	[dreg:$0xc] =	wrdreg s7  }
.LBB2_1:
0x2b: {  	[smem:$0x7F3] =	sst s0  }
0x2c: {  	s15 =	rddreg [dreg:$0xf]  }
0x2d: {  	s4 =	rddreg [dreg:$0x10]  }
0x2e: {  	s5 =	rddreg [dreg:$0x11]  }
0x2f: {  	[tilespmem:s20], [sflag:$0x1] =	stream.linear.gather [hbm4b:s15+s8], $0x50, $0x38;
	[tilespmem:$0x1EE60] =	vst v63  }
0x30: {  	s25 =	simm.s32 $0x186F0;
	s6 =	rddreg [dreg:$0x12]  }
0x31: {  	[tilespmem:s25], [sflag:$0x1] =	stream.linear.gather [hbm4b:s4+s8], $0x50, $0x38;
	[tilespmem:$0x1EE60] =	vst v63  }
0x32: {  	s9 =	rddreg [dreg:$0x17]  }
0x33: {  	[tilespmem:s18], [sflag:$0x1] =	stream.linear.gather [hbm4b:s5+s8], $0x50, $0x38;
	[tilespmem:$0x1EE60] =	vst v63  }
0x34: {  	s11 =	rddreg [dreg:$0x18]  }
0x35: {  	[tilespmem:s22], [sflag:$0x2] =	stream.linear.gather [hbm4b:s6+s8], $0x50, $0x38;
	[tilespmem:$0x1EE60] =	vst v63  }
0x36: {  	s0 =	simm.s32 $0x187E0;
	s13 =	rddreg [dreg:$0x19]  }
0x37: {  	[tilespmem:s0], [sflag:$0x2] =	stream.linear.gather [hbm4b:s9+s8], $0x50, $0x38;
	[tilespmem:$0x1EE60] =	vst v63  }
0x38: {  	s1 =	simm.s32 $0x18830;
	s21 =	rddreg [dreg:$0x1b]  }
0x39: {  	[tilespmem:s1], [sflag:$0x2] =	stream.linear.gather [hbm4b:s11+s8], $0x50, $0x38;
	[tilespmem:$0x1EE60] =	vst v63  }
0x3a: {  	s17 =	simm.s32 $0x18880;
	s20 =	rddreg [dreg:$0x1a]  }
0x3b: {  	[tilespmem:s17], [sflag:$0x3] =	stream.linear.gather [hbm4b:s13+s8], $0x50, $0x38;
	[tilespmem:$0x1EE60] =	vst v63  }
0x3c: {  	s24 =	simm.s32 $0x188D0;
	s15 =	rddreg [dreg:$0xd]  }
0x3d: {  	[tilespmem:s24], [sflag:$0x3] =	stream.linear.gather [hbm4b:s20+s8], $0x50, $0x38;
	[tilespmem:$0x1EE60] =	vst v63  }
0x3e: {  	s4 =	rddreg [dreg:$0x1d];
	s22 =	simm.s32 $0x18920  }
0x3f: {  	[tilespmem:s22], [sflag:$0x3] =	stream.linear.gather [hbm4b:s21+s8], $0x50, $0x38;
	[tilespmem:$0x1EE60] =	vst v63  }
0x40: {  	s3 =	simm.s32 $0x18970;
	s1 =	rddreg [dreg:$0x1c]  }
0x41: {  	[tilespmem:s3], [sflag:$0x4] =	stream.linear.gather [hbm4b:s1+s8], $0x50, $0x38;
	[tilespmem:$0x1EE60] =	vst v63  }
0x42: {  	s5 =	simm.s32 $0x189C0;
	s13 =	rddreg [dreg:$0x1f]  }
0x43: {  	[tilespmem:s5], [sflag:$0x4] =	stream.linear.gather [hbm4b:s4+s8], $0x50, $0x38;
	[tilespmem:$0x1EE60] =	vst v63  }
0x44: {  	s6 =	rddreg [dreg:$0x1e];
	s4 =	sshrl.u32 s13, $0x3  }
0x45: {  	s9 =	simm.s32 $0x18A10;
	[smem:$0x7F4] =	sst s4  }
0x46: {  	[tilespmem:s9], [sflag:$0x4] =	stream.linear.gather [hbm4b:s6+s8], $0x50, $0x38;
	[tilespmem:$0x1EE60] =	vst v63  }
0x47: {  	[spmem:s4], [sflag:s23] =	dma.local [hbm:s15], $0x2700  }
0x48: {  	_ =	swait.ge [sflag:s2], $0x2700  }
0x49: {  	s17 =	sld [smem:$0x7F8];
	_ =	sdelay $0x2  }
0x4a: {  	[sflag:s2] =	ssyncset.done $0x0;
	s22 =	rddreg [dreg:$0xe];
	s20 =	sshrl.u32 s17, $0x3  }
0x4b: {  	[sflag:s2] =	ssyncadd.s32 $0xFFFFD900;
	[smem:$0x7F5] =	sst s20  }
0x4c: {  	[spmem:s20], [sflag:s23] =	dma.local [hbm:s22], $0x9C0  }
0x4d: {  	_ =	swait.ge [sflag:s2], $0x9C0  }
0x4e: {  	s20 =	sld [smem:$0x7FB];
	_ =	sdelay $0x1  }
0x4f: {  	[sflag:s2] =	ssyncset.done $0x0  }
0x50: {  	[sflag:s2] =	ssyncadd.s32 $0xFFFFF640;
	s2 =	sshrl.u32 @!p0 s20, $0x3  }
0x51: {  	s20 =	simm.s32 @!p0 $0xB;
	[smem:$0x7F6] =	sst s2  }
0x52: {  	[spmem:s2], [sflag:s23] =	dma.local @!p0 [hbm:s15], $0x100  }
0x53: {  	_ =	swait.ge @!p0 [sflag:s20], $0x100  }
0x54: {  	s15 =	sld [smem:$0x7FC];
	_ =	sdelay $0x2  }
0x55: {  	[sflag:s20] =	ssyncset.done @!p0 $0x0;
	s2 =	sshrl.u32 @!p0 s15, $0x3  }
0x56: {  	[sflag:s20] =	ssyncadd.s32 @!p0 $0xFFFFFF00;
	[smem:$0x7F7] =	sst s2  }
0x57: {  	[spmem:s2], [sflag:s23] =	dma.local @!p0 [hbm:s22], $0x40  }
0x58: {  	_ =	swait.ge @!p0 [sflag:s20], $0x40  }
0x59: {  	[sflag:s20] =	ssyncset.done @!p0 $0x0  }
0x5a: {  	[sflag:s20] =	ssyncadd.s32 @!p0 $0xFFFFFFC0  }
0x5b: {  	_ =	swait.ge [sflag:s16], $0x50  }
0x5c: {  	[sflag:s16] =	ssyncset.done $0x0  }
0x5d: {  	[sflag:s16] =	ssyncadd.s32 $0xFFFFFFB0  }
0x5e: {  	_ =	swait.ge [sflag:s16], $0x50  }
0x5f: {  	[sflag:s16] =	ssyncset.done $0x0  }
0x60: {  	[sflag:s16] =	ssyncadd.s32 $0xFFFFFFB0  }
0x61: {  	_ =	swait.ge [sflag:s16], $0x50  }
0x62: {  	[sflag:s16] =	ssyncset.done $0x0  }
0x63: {  	[sflag:s16] =	ssyncadd.s32 $0xFFFFFFB0  }
0x64: {  	s3 =	simm.s32 $0x18A60;
	s22 =	simm.s32 $0x186A0;
	s21 =	rddreg [dreg:$0x0]  }
0x65: {  	[tilespmem:s3], [sflag:$0x5] =	stream.indirect.gather [hbm4b:s21+s29], $0x80, s22, s29, $0xb8;
	[tilespmem:$0x1EE60] =	vst v63  }
0x66: {  	s13 =	simm.s32 $0x1DA60  }
0x67: {  	[tilespmem:s13], [sflag:$0x7] =	stream.indirect.gather [hbm4b:s7+s29], $0x20, s18, s29, $0xb8;
	[tilespmem:$0x1EE60] =	vst v63  }
0x68: {  	[bflag:$0x0] =	sbarrier.arrive $0xFFFF  }
0x69: {  	_ =	swait.ge [sflag:s12], $0x50  }
0x6a: {  	[sflag:s12] =	ssyncset.done $0x0  }
0x6b: {  	[sflag:s12] =	ssyncadd.s32 $0xFFFFFFB0  }
0x6c: {  	_ =	swait.ge [sflag:s12], $0x50  }
0x6d: {  	[sflag:s12] =	ssyncset.done $0x0  }
0x6e: {  	[sflag:s12] =	ssyncadd.s32 $0xFFFFFFB0  }
0x6f: {  	_ =	swait.ge [sflag:s12], $0x50  }
0x70: {  	[sflag:s12] =	ssyncset.done $0x0  }
0x71: {  	[sflag:s12] =	ssyncadd.s32 $0xFFFFFFB0  }
0x72: {  	s17 =	simm.s32 $0x18790;
	s23 =	rddreg [dreg:$0x0]  }
0x73: {  	[tilespmem:s31], [sflag:$0x6] =	stream.indirect.gather [hbm4b:s23+s29], $0x80, s17, s29, $0xb8;
	[tilespmem:$0x1EE60] =	vst v63  }
0x74: {  	s28 =	simm.s32 $0x18830  }
0x75: {  	[tilespmem:s10], [sflag:$0x8] =	stream.indirect.gather [hbm4b:s7+s29], $0x20, s28, s29, $0xb8;
	[tilespmem:$0x1EE60] =	vst v63  }
0x76: {  	s7 =	simm.s32 $0x5  }
0x77: {  	_ =	swait.ge [sflag:s7], $0x2800  }
0x78: {  	[sflag:s7] =	ssyncset.done $0x0  }
0x79: {  	s16 =	simm.s32 $0x7;
	[sflag:s7] =	ssyncadd.s32 $0xFFFFD800  }
0x7a: {  	_ =	swait.ge [sflag:s16], $0xA00  }
0x7b: {  	[sflag:s16] =	ssyncset.done $0x0  }
0x7c: {  	[sflag:s16] =	ssyncadd.s32 $0xFFFFF600  }
0x7d: {  	s6 =	rddreg [dreg:$0x6]  }
0x7e: {  	[spmem:s6] =	stream.indirect.scatter.add.f32 [tilespmem:s3], [sflag:$0x9], $0x80, s25, s29, $0xb8;
	[tilespmem:$0x1EE60] =	vst v63  }
0x7f: {  	s21 =	rddreg [dreg:$0x7]  }
0x80: {  	[spmem:s21] =	stream.indirect.scatter.add.f32 [tilespmem:s13], [sflag:$0xA], $0x20, s25, s29, $0xb8;
	[tilespmem:$0x1EE60] =	vst v63  }
0x81: {  	_ =	swait.ge [sflag:s26], $0x2800  }
0x82: {  	[sflag:s26] =	ssyncset.done $0x0  }
0x83: {  	[sflag:s26] =	ssyncadd.s32 $0xFFFFD800  }
0x84: {  	_ =	swait.ge [sflag:s30], $0xA00  }
0x85: {  	s15 =	sld [smem:$0x7FA]  }
0x86: {  	[sflag:s30] =	ssyncset.done $0x0  }
0x87: {  	[sflag:s30] =	ssyncadd.s32 $0xFFFFF600  }
0x88: {  	s2 =	rddreg [dreg:$0x1];
	s1 =	sshrl.u32 s15, $0x3  }
0x89: {  	s4 =	rddreg [dreg:$0x2];
	s5 =	sadd.s32 s2, s1  }
0x8a: {  	[tilespmem:s22], [sflag:$0x1] =	stream.linear.gather [hbm4b:s5+s8], $0x50, $0x38;
	[tilespmem:$0x1EE60] =	vst v63  }
0x8b: {  	s9 =	sadd.s32 s4, s1;
	s5 =	rddreg [dreg:$0x3]  }
0x8c: {  	[tilespmem:s25], [sflag:$0x1] =	stream.linear.gather [hbm4b:s9+s8], $0x50, $0x38;
	[tilespmem:$0x1EE60] =	vst v63  }
0x8d: {  	s20 =	sadd.s32 s5, s1  }
0x8e: {  	[tilespmem:s18], [sflag:$0x1] =	stream.linear.gather [hbm4b:s20+s8], $0x50, $0x38;
	[tilespmem:$0x1EE60] =	vst v63  }
0x8f: {  	s25 =	rddreg [dreg:$0x0];
	_ =	swait.ge [sflag:s14], $0x50  }
0x90: {  	[sflag:s14] =	ssyncset.done $0x0  }
0x91: {  	[sflag:s14] =	ssyncadd.s32 $0xFFFFFFB0  }
0x92: {  	_ =	swait.ge [sflag:s14], $0x50  }
0x93: {  	[sflag:s14] =	ssyncset.done $0x0  }
0x94: {  	[sflag:s14] =	ssyncadd.s32 $0xFFFFFFB0  }
0x95: {  	_ =	swait.ge [sflag:s14], $0x50  }
0x96: {  	[sflag:s14] =	ssyncset.done $0x0  }
0x97: {  	s9 =	simm.s32 $0x18880;
	[sflag:s14] =	ssyncadd.s32 $0xFFFFFFB0  }
0x98: {  	[tilespmem:s3], [sflag:$0x5] =	stream.indirect.gather [hbm4b:s25+s29], $0x80, s9, s29, $0xb8;
	[tilespmem:$0x1EE60] =	vst v63  }
0x99: {  	s11 =	simm.s32 $0x18920;
	s1 =	simm.s32 $0x6;
	s23 =	rddreg [dreg:$0xc]  }
0x9a: {  	[tilespmem:s13], [sflag:$0x7] =	stream.indirect.gather [hbm4b:s23+s29], $0x20, s11, s29, $0xb8;
	[tilespmem:$0x1EE60] =	vst v63  }
0x9b: {  	_ =	swait.ge [sflag:s1], $0x2800  }
0x9c: {  	[sflag:s1] =	ssyncset.done $0x0  }
0x9d: {  	s11 =	simm.s32 $0x8;
	[sflag:s1] =	ssyncadd.s32 $0xFFFFD800  }
0x9e: {  	_ =	swait.ge [sflag:s11], $0xA00  }
0x9f: {  	[sflag:s11] =	ssyncset.done $0x0  }
0xa0: {  	[sflag:s11] =	ssyncadd.s32 $0xFFFFF600  }
0xa1: {  	[spmem:s6] =	stream.indirect.scatter.add.f32 [tilespmem:s31], [sflag:$0x9], $0x80, s0, s29, $0xb8;
	[tilespmem:$0x1EE60] =	vst v63  }
0xa2: {  	_ = 	snop  }
0xa3: {  	[spmem:s21] =	stream.indirect.scatter.add.f32 [tilespmem:s10], [sflag:$0xA], $0x20, s0, s29, $0xb8;
	[tilespmem:$0x1EE60] =	vst v63  }
0xa4: {  	_ =	swait.ge [sflag:s26], $0x2800  }
0xa5: {  	[sflag:s26] =	ssyncset.done $0x0  }
0xa6: {  	s20 =	smin.u32 s8, $0x77;
	[sflag:s26] =	ssyncadd.s32 $0xFFFFD800  }
0xa7: {  	s20 =	smul.u32 $0x50, s20;
	_ =	swait.ge [sflag:s30], $0xA00  }
0xa8: {  	s22 =	rddreg [dreg:$0x9]  }
0xa9: {  	s20 =	sadd.s32 s20, s22  }
0xaa: {  	[sflag:s30] =	ssyncset.done $0x0;
	s20 =	sshrl.u32 s20, $0x3  }
0xab: {  	[sflag:s30] =	ssyncadd.s32 $0xFFFFF600;
	s22 =	sadd.s32 s2, s20  }
0xac: {  	[tilespmem:s17], [sflag:$0x2] =	stream.linear.gather [hbm4b:s22+s8], $0x50, $0x38;
	[tilespmem:$0x1EE60] =	vst v63  }
0xad: {  	s17 =	sadd.s32 s4, s20  }
0xae: {  	[tilespmem:s0], [sflag:$0x2] =	stream.linear.gather [hbm4b:s17+s8], $0x50, $0x38;
	[tilespmem:$0x1EE60] =	vst v63  }
0xaf: {  	s20 =	sadd.s32 s5, s20  }
0xb0: {  	[tilespmem:s28], [sflag:$0x2] =	stream.linear.gather [hbm4b:s20+s8], $0x50, $0x38;
	[tilespmem:$0x1EE60] =	vst v63  }
0xb1: {  	_ =	swait.ge [sflag:s19], $0x50  }
0xb2: {  	[sflag:s19] =	ssyncset.done $0x0  }
0xb3: {  	[sflag:s19] =	ssyncadd.s32 $0xFFFFFFB0  }
0xb4: {  	_ =	swait.ge [sflag:s19], $0x50  }
0xb5: {  	[sflag:s19] =	ssyncset.done $0x0  }
0xb6: {  	[sflag:s19] =	ssyncadd.s32 $0xFFFFFFB0  }
0xb7: {  	_ =	swait.ge [sflag:s19], $0x50  }
0xb8: {  	[sflag:s19] =	ssyncset.done $0x0  }
0xb9: {  	s28 =	simm.s32 $0x18970;
	[sflag:s19] =	ssyncadd.s32 $0xFFFFFFB0  }
0xba: {  	[tilespmem:s31], [sflag:$0x6] =	stream.indirect.gather [hbm4b:s25+s29], $0x80, s28, s29, $0xb8;
	[tilespmem:$0x1EE60] =	vst v63  }
0xbb: {  	s20 =	simm.s32 $0x18A10;
	s17 =	rddreg [dreg:$0xc]  }
0xbc: {  	[tilespmem:s10], [sflag:$0x8] =	stream.indirect.gather [hbm4b:s17+s29], $0x20, s20, s29, $0xb8;
	[tilespmem:$0x1EE60] =	vst v63  }
0xbd: {  	_ =	swait.ge [sflag:s7], $0x2800  }
0xbe: {  	[sflag:s7] =	ssyncset.done $0x0  }
0xbf: {  	[sflag:s7] =	ssyncadd.s32 $0xFFFFD800  }
0xc0: {  	s7 =	rddreg [dreg:$0xc];
	_ =	swait.ge [sflag:s16], $0xA00  }
0xc1: {  	[sflag:s16] =	ssyncset.done $0x0  }
0xc2: {  	[sflag:s16] =	ssyncadd.s32 $0xFFFFF600  }
0xc3: {  	[spmem:s6] =	stream.indirect.scatter.add.f32 [tilespmem:s3], [sflag:$0x9], $0x80, s24, s29, $0xb8;
	[tilespmem:$0x1EE60] =	vst v63  }
0xc4: {  	_ = 	snop  }
0xc5: {  	[spmem:s21] =	stream.indirect.scatter.add.f32 [tilespmem:s13], [sflag:$0xA], $0x20, s24, s29, $0xb8;
	[tilespmem:$0x1EE60] =	vst v63  }
0xc6: {  	_ =	swait.ge [sflag:s26], $0x2800  }
0xc7: {  	[sflag:s26] =	ssyncset.done $0x0  }
0xc8: {  	s22 =	smin.u32 s8, $0x76;
	[sflag:s26] =	ssyncadd.s32 $0xFFFFD800  }
0xc9: {  	s20 =	smul.u32 $0x50, s22;
	_ =	swait.ge [sflag:s30], $0xA00  }
0xca: {  	s16 =	rddreg [dreg:$0xa]  }
0xcb: {  	s20 =	sadd.s32 s20, s16  }
0xcc: {  	[sflag:s30] =	ssyncset.done $0x0;
	s20 =	sshrl.u32 s20, $0x3  }
0xcd: {  	[sflag:s30] =	ssyncadd.s32 $0xFFFFF600;
	s17 =	sadd.s32 s2, s20  }
0xce: {  	[tilespmem:s9], [sflag:$0x3] =	stream.linear.gather [hbm4b:s17+s8], $0x50, $0x38;
	[tilespmem:$0x1EE60] =	vst v63  }
0xcf: {  	s16 =	sadd.s32 s4, s20  }
0xd0: {  	[tilespmem:s24], [sflag:$0x3] =	stream.linear.gather [hbm4b:s16+s8], $0x50, $0x38;
	[tilespmem:$0x1EE60] =	vst v63  }
0xd1: {  	s23 =	simm.s32 $0x18920;
	s0 =	simm.s32 $0x1;
	s20 =	sadd.s32 s5, s20  }
0xd2: {  	[tilespmem:s23], [sflag:$0x3] =	stream.linear.gather [hbm4b:s20+s8], $0x50, $0x38;
	[tilespmem:$0x1EE60] =	vst v63  }
0xd3: {  	_ =	swait.ge [sflag:s0], $0x50  }
0xd4: {  	[sflag:s0] =	ssyncset.done $0x0  }
0xd5: {  	[sflag:s0] =	ssyncadd.s32 $0xFFFFFFB0  }
0xd6: {  	_ =	swait.ge [sflag:s0], $0x50  }
0xd7: {  	[sflag:s0] =	ssyncset.done $0x0  }
0xd8: {  	[sflag:s0] =	ssyncadd.s32 $0xFFFFFFB0  }
0xd9: {  	_ =	swait.ge [sflag:s0], $0x50  }
0xda: {  	[sflag:s0] =	ssyncset.done $0x0  }
0xdb: {  	s17 =	simm.s32 $0x186A0;
	[sflag:s0] =	ssyncadd.s32 $0xFFFFFFB0  }
0xdc: {  	[tilespmem:s3], [sflag:$0x5] =	stream.indirect.gather [hbm4b:s25+s29], $0x80, s17, s29, $0xb8;
	[tilespmem:$0x1EE60] =	vst v63  }
0xdd: {  	_ = 	snop  }
0xde: {  	[tilespmem:s13], [sflag:$0x7] =	stream.indirect.gather [hbm4b:s7+s29], $0x20, s18, s29, $0xb8;
	[tilespmem:$0x1EE60] =	vst v63  }
0xdf: {  	_ =	swait.ge [sflag:s1], $0x2800  }
0xe0: {  	[sflag:s1] =	ssyncset.done $0x0  }
0xe1: {  	[sflag:s1] =	ssyncadd.s32 $0xFFFFD800  }
0xe2: {  	_ =	swait.ge [sflag:s11], $0xA00  }
0xe3: {  	[sflag:s11] =	ssyncset.done $0x0  }
0xe4: {  	s20 =	simm.s32 $0x189C0;
	[sflag:s11] =	ssyncadd.s32 $0xFFFFF600  }
0xe5: {  	[spmem:s6] =	stream.indirect.scatter.add.f32 [tilespmem:s31], [sflag:$0x9], $0x80, s20, s29, $0xb8;
	[tilespmem:$0x1EE60] =	vst v63  }
0xe6: {  	_ = 	snop  }
0xe7: {  	[spmem:s21] =	stream.indirect.scatter.add.f32 [tilespmem:s10], [sflag:$0xA], $0x20, s20, s29, $0xb8;
	[tilespmem:$0x1EE60] =	vst v63  }
0xe8: {  	_ =	swait.ge [sflag:s26], $0x2800  }
0xe9: {  	[sflag:s26] =	ssyncset.done $0x0  }
0xea: {  	s23 =	smin.u32 s8, $0x75;
	[sflag:s26] =	ssyncadd.s32 $0xFFFFD800  }
0xeb: {  	s20 =	smul.u32 $0x50, s23;
	_ =	swait.ge [sflag:s30], $0xA00  }
0xec: {  	s24 =	rddreg [dreg:$0xb]  }
0xed: {  	s20 =	sadd.s32 s20, s24  }
0xee: {  	s21 =	simm.s32 $0x189C0;
	[sflag:s30] =	ssyncset.done $0x0;
	s22 =	sshrl.u32 s20, $0x3  }
0xef: {  	[sflag:s30] =	ssyncadd.s32 $0xFFFFF600;
	s20 =	sadd.s32 s2, s22;
	s23 =	sadd.s32 s5, s22  }
0xf0: {  	[tilespmem:s28], [sflag:$0x4] =	stream.linear.gather [hbm4b:s20+s8], $0x50, $0x38;
	[tilespmem:$0x1EE60] =	vst v63  }
0xf1: {  	s28 =	sadd.s32 s4, s22;
	s20 =	simm.s32 $0x4;
	s22 =	sadd.s32 $0x140, s15  }
0xf2: {  	[tilespmem:s21], [sflag:$0x4] =	stream.linear.gather [hbm4b:s28+s8], $0x50, $0x38;
	[tilespmem:$0x1EE60] =	vst v63  }
.LBB2_2:
0xf3: {  	s24 =	simm.s32 $0x18A10  }
0xf4: {  	[tilespmem:s24], [sflag:$0x4] =	stream.linear.gather [hbm4b:s23+s8], $0x50, $0x38;
	[tilespmem:$0x1EE60] =	vst v63  }
0xf5: {  	_ =	swait.ge [sflag:s12], $0x50  }
0xf6: {  	[sflag:s12] =	ssyncset.done $0x0  }
0xf7: {  	[sflag:s12] =	ssyncadd.s32 $0xFFFFFFB0  }
0xf8: {  	_ =	swait.ge [sflag:s12], $0x50  }
0xf9: {  	[sflag:s12] =	ssyncset.done $0x0  }
0xfa: {  	[sflag:s12] =	ssyncadd.s32 $0xFFFFFFB0  }
0xfb: {  	_ =	swait.ge [sflag:s12], $0x50  }
0xfc: {  	[sflag:s12] =	ssyncset.done $0x0  }
0xfd: {  	s5 =	simm.s32 $0x18790;
	[sflag:s12] =	ssyncadd.s32 $0xFFFFFFB0  }
0xfe: {  	[tilespmem:s31], [sflag:$0x6] =	stream.indirect.gather [hbm4b:s25+s29], $0x80, s5, s29, $0xb8;
	[tilespmem:$0x1EE60] =	vst v63  }
0xff: {  	s0 =	simm.s32 $0x18830  }
0x100: {  	[tilespmem:s10], [sflag:$0x8] =	stream.indirect.gather [hbm4b:s7+s29], $0x20, s0, s29, $0xb8;
	[tilespmem:$0x1EE60] =	vst v63  }
0x101: {  	s7 =	simm.s32 $0x5  }
0x102: {  	_ =	swait.ge [sflag:s7], $0x2800  }
0x103: {  	[sflag:s7] =	ssyncset.done $0x0  }
0x104: {  	s16 =	simm.s32 $0x7;
	[sflag:s7] =	ssyncadd.s32 $0xFFFFD800  }
0x105: {  	_ =	swait.ge [sflag:s16], $0xA00  }
0x106: {  	[sflag:s16] =	ssyncset.done $0x0  }
0x107: {  	[sflag:s16] =	ssyncadd.s32 $0xFFFFF600  }
0x108: {  	s18 =	simm.s32 $0x186F0;
	s3 =	simm.s32 $0x18A60;
	s6 =	rddreg [dreg:$0x6]  }
0x109: {  	[spmem:s6] =	stream.indirect.scatter.add.f32 [tilespmem:s3], [sflag:$0x9], $0x80, s18, s29, $0xb8;
	[tilespmem:$0x1EE60] =	vst v63  }
0x10a: {  	s13 =	simm.s32 $0x1DA60;
	s21 =	rddreg [dreg:$0x7]  }
0x10b: {  	[spmem:s21] =	stream.indirect.scatter.add.f32 [tilespmem:s13], [sflag:$0xA], $0x20, s18, s29, $0xb8;
	[tilespmem:$0x1EE60] =	vst v63  }
0x10c: {  	_ =	swait.ge [sflag:s26], $0x2800  }
0x10d: {  	[sflag:s26] =	ssyncset.done $0x0  }
0x10e: {  	[sflag:s26] =	ssyncadd.s32 $0xFFFFD800  }
0x10f: {  	_ =	swait.ge [sflag:s30], $0xA00  }
0x110: {  	[sflag:s30] =	ssyncset.done $0x0  }
0x111: {  	[sflag:s30] =	ssyncadd.s32 $0xFFFFF600  }
0x112: {  	s2 =	sshrl.u32 s22, $0x3;
	s9 =	rddreg [dreg:$0x1]  }
0x113: {  	s1 =	simm.s32 $0x186A0;
	s17 =	rddreg [dreg:$0x2];
	s15 =	sadd.s32 s9, s2  }
0x114: {  	[tilespmem:s1], [sflag:$0x1] =	stream.linear.gather [hbm4b:s15+s8], $0x50, $0x38;
	[tilespmem:$0x1EE60] =	vst v63  }
0x115: {  	s4 =	sadd.s32 s17, s2;
	s1 =	rddreg [dreg:$0x3]  }
0x116: {  	[tilespmem:s18], [sflag:$0x1] =	stream.linear.gather [hbm4b:s4+s8], $0x50, $0x38;
	[tilespmem:$0x1EE60] =	vst v63  }
0x117: {  	s10 =	sadd.s32 s1, s2;
	s18 =	simm.s32 $0x18740  }
0x118: {  	[tilespmem:s18], [sflag:$0x1] =	stream.linear.gather [hbm4b:s10+s8], $0x50, $0x38;
	[tilespmem:$0x1EE60] =	vst v63  }
0x119: {  	_ =	swait.ge [sflag:s14], $0x50  }
0x11a: {  	[sflag:s14] =	ssyncset.done $0x0  }
0x11b: {  	[sflag:s14] =	ssyncadd.s32 $0xFFFFFFB0  }
0x11c: {  	_ =	swait.ge [sflag:s14], $0x50  }
0x11d: {  	[sflag:s14] =	ssyncset.done $0x0  }
0x11e: {  	[sflag:s14] =	ssyncadd.s32 $0xFFFFFFB0  }
0x11f: {  	_ =	swait.ge [sflag:s14], $0x50  }
0x120: {  	[sflag:s14] =	ssyncset.done $0x0  }
0x121: {  	[sflag:s14] =	ssyncadd.s32 $0xFFFFFFB0  }
0x122: {  	s10 =	simm.s32 $0x18880;
	s4 =	rddreg [dreg:$0x0]  }
0x123: {  	[tilespmem:s3], [sflag:$0x5] =	stream.indirect.gather [hbm4b:s4+s29], $0x80, s10, s29, $0xb8;
	[tilespmem:$0x1EE60] =	vst v63  }
0x124: {  	s28 =	simm.s32 $0x6;
	s11 =	rddreg [dreg:$0xc];
	s4 =	simm.s32 $0x18920  }
0x125: {  	[tilespmem:s13], [sflag:$0x7] =	stream.indirect.gather [hbm4b:s11+s29], $0x20, s4, s29, $0xb8;
	[tilespmem:$0x1EE60] =	vst v63  }
0x126: {  	_ =	swait.ge [sflag:s28], $0x2800  }
0x127: {  	[sflag:s28] =	ssyncset.done $0x0  }
0x128: {  	s11 =	simm.s32 $0x8;
	[sflag:s28] =	ssyncadd.s32 $0xFFFFD800  }
0x129: {  	_ =	swait.ge [sflag:s11], $0xA00  }
0x12a: {  	[sflag:s11] =	ssyncset.done $0x0  }
0x12b: {  	s25 =	simm.s32 $0x1B260;
	s31 =	simm.s32 $0x187E0;
	[sflag:s11] =	ssyncadd.s32 $0xFFFFF600  }
0x12c: {  	[spmem:s6] =	stream.indirect.scatter.add.f32 [tilespmem:s25], [sflag:$0x9], $0x80, s31, s29, $0xb8;
	[tilespmem:$0x1EE60] =	vst v63  }
0x12d: {  	s2 =	simm.s32 $0x1E460  }
0x12e: {  	[spmem:s21] =	stream.indirect.scatter.add.f32 [tilespmem:s2], [sflag:$0xA], $0x20, s31, s29, $0xb8;
	[tilespmem:$0x1EE60] =	vst v63  }
0x12f: {  	_ =	swait.ge [sflag:s26], $0x2800  }
0x130: {  	s23 =	smov.u32 s20;
	[sflag:s26] =	ssyncset.done $0x0  }
0x131: {  	s15 =	smin.u32 s23, $0x77;
	[sflag:s26] =	ssyncadd.s32 $0xFFFFD800  }
0x132: {  	s15 =	smul.u32 $0x50, s15;
	_ =	swait.ge [sflag:s30], $0xA00  }
0x133: {  	s25 =	rddreg [dreg:$0x9]  }
0x134: {  	s15 =	sadd.s32 s15, s25  }
0x135: {  	[sflag:s30] =	ssyncset.done $0x0;
	s15 =	sshrl.u32 s15, $0x3  }
0x136: {  	[sflag:s30] =	ssyncadd.s32 $0xFFFFF600;
	s25 =	sadd.s32 s9, s15  }
0x137: {  	[tilespmem:s5], [sflag:$0x2] =	stream.linear.gather [hbm4b:s25+s8], $0x50, $0x38;
	[tilespmem:$0x1EE60] =	vst v63  }
0x138: {  	s5 =	sadd.s32 s17, s15  }
0x139: {  	[tilespmem:s31], [sflag:$0x2] =	stream.linear.gather [hbm4b:s5+s8], $0x50, $0x38;
	[tilespmem:$0x1EE60] =	vst v63  }
0x13a: {  	s15 =	sadd.s32 s1, s15  }
0x13b: {  	[tilespmem:s0], [sflag:$0x2] =	stream.linear.gather [hbm4b:s15+s8], $0x50, $0x38;
	[tilespmem:$0x1EE60] =	vst v63  }
0x13c: {  	_ =	swait.ge [sflag:s19], $0x50  }
0x13d: {  	[sflag:s19] =	ssyncset.done $0x0  }
0x13e: {  	[sflag:s19] =	ssyncadd.s32 $0xFFFFFFB0  }
0x13f: {  	_ =	swait.ge [sflag:s19], $0x50  }
0x140: {  	[sflag:s19] =	ssyncset.done $0x0  }
0x141: {  	[sflag:s19] =	ssyncadd.s32 $0xFFFFFFB0  }
0x142: {  	_ =	swait.ge [sflag:s19], $0x50  }
0x143: {  	[sflag:s19] =	ssyncset.done $0x0  }
0x144: {  	[sflag:s19] =	ssyncadd.s32 $0xFFFFFFB0  }
0x145: {  	s31 =	simm.s32 $0x1B260;
	s5 =	simm.s32 $0x18970;
	s15 =	rddreg [dreg:$0x0]  }
0x146: {  	[tilespmem:s31], [sflag:$0x6] =	stream.indirect.gather [hbm4b:s15+s29], $0x80, s5, s29, $0xb8;
	[tilespmem:$0x1EE60] =	vst v63  }
0x147: {  	s25 =	rddreg [dreg:$0xc]  }
0x148: {  	[tilespmem:s2], [sflag:$0x8] =	stream.indirect.gather [hbm4b:s25+s29], $0x20, s24, s29, $0xb8;
	[tilespmem:$0x1EE60] =	vst v63  }
0x149: {  	_ =	swait.ge [sflag:s7], $0x2800  }
0x14a: {  	[sflag:s7] =	ssyncset.done $0x0  }
0x14b: {  	[sflag:s7] =	ssyncadd.s32 $0xFFFFD800  }
0x14c: {  	s7 =	rddreg [dreg:$0xc];
	_ =	swait.ge [sflag:s16], $0xA00  }
0x14d: {  	[sflag:s16] =	ssyncset.done $0x0  }
0x14e: {  	s2 =	simm.s32 $0x188D0;
	[sflag:s16] =	ssyncadd.s32 $0xFFFFF600  }
0x14f: {  	[spmem:s6] =	stream.indirect.scatter.add.f32 [tilespmem:s3], [sflag:$0x9], $0x80, s2, s29, $0xb8;
	[tilespmem:$0x1EE60] =	vst v63  }
0x150: {  	_ = 	snop  }
0x151: {  	[spmem:s21] =	stream.indirect.scatter.add.f32 [tilespmem:s13], [sflag:$0xA], $0x20, s2, s29, $0xb8;
	[tilespmem:$0x1EE60] =	vst v63  }
0x152: {  	_ =	swait.ge [sflag:s26], $0x2800  }
0x153: {  	[sflag:s26] =	ssyncset.done $0x0  }
0x154: {  	s25 =	smin.u32 s23, $0x76;
	[sflag:s26] =	ssyncadd.s32 $0xFFFFD800  }
0x155: {  	s15 =	smul.u32 $0x50, s25;
	_ =	swait.ge [sflag:s30], $0xA00  }
0x156: {  	s24 =	rddreg [dreg:$0xa]  }
0x157: {  	s15 =	sadd.s32 s15, s24  }
0x158: {  	[sflag:s30] =	ssyncset.done $0x0;
	s15 =	sshrl.u32 s15, $0x3  }
0x159: {  	[sflag:s30] =	ssyncadd.s32 $0xFFFFF600;
	s24 =	sadd.s32 s9, s15  }
0x15a: {  	[tilespmem:s10], [sflag:$0x3] =	stream.linear.gather [hbm4b:s24+s8], $0x50, $0x38;
	[tilespmem:$0x1EE60] =	vst v63  }
0x15b: {  	s24 =	sadd.s32 s17, s15  }
0x15c: {  	[tilespmem:s2], [sflag:$0x3] =	stream.linear.gather [hbm4b:s24+s8], $0x50, $0x38;
	[tilespmem:$0x1EE60] =	vst v63  }
0x15d: {  	s16 =	simm.s32 $0x1;
	s15 =	sadd.s32 s1, s15  }
0x15e: {  	[tilespmem:s4], [sflag:$0x3] =	stream.linear.gather [hbm4b:s15+s8], $0x50, $0x38;
	[tilespmem:$0x1EE60] =	vst v63  }
0x15f: {  	s25 =	rddreg [dreg:$0x0];
	_ =	swait.ge [sflag:s16], $0x50  }
0x160: {  	[sflag:s16] =	ssyncset.done $0x0  }
0x161: {  	[sflag:s16] =	ssyncadd.s32 $0xFFFFFFB0  }
0x162: {  	_ =	swait.ge [sflag:s16], $0x50  }
0x163: {  	[sflag:s16] =	ssyncset.done $0x0  }
0x164: {  	[sflag:s16] =	ssyncadd.s32 $0xFFFFFFB0  }
0x165: {  	_ =	swait.ge [sflag:s16], $0x50  }
0x166: {  	[sflag:s16] =	ssyncset.done $0x0  }
0x167: {  	s15 =	simm.s32 $0x186A0;
	[sflag:s16] =	ssyncadd.s32 $0xFFFFFFB0  }
0x168: {  	[tilespmem:s3], [sflag:$0x5] =	stream.indirect.gather [hbm4b:s25+s29], $0x80, s15, s29, $0xb8;
	[tilespmem:$0x1EE60] =	vst v63  }
0x169: {  	_ = 	snop  }
0x16a: {  	[tilespmem:s13], [sflag:$0x7] =	stream.indirect.gather [hbm4b:s7+s29], $0x20, s18, s29, $0xb8;
	[tilespmem:$0x1EE60] =	vst v63  }
0x16b: {  	_ =	swait.ge [sflag:s28], $0x2800  }
0x16c: {  	[sflag:s28] =	ssyncset.done $0x0  }
0x16d: {  	[sflag:s28] =	ssyncadd.s32 $0xFFFFD800  }
0x16e: {  	_ =	swait.ge [sflag:s11], $0xA00  }
0x16f: {  	[sflag:s11] =	ssyncset.done $0x0  }
0x170: {  	s4 =	simm.s32 $0x189C0;
	[sflag:s11] =	ssyncadd.s32 $0xFFFFF600  }
0x171: {  	[spmem:s6] =	stream.indirect.scatter.add.f32 [tilespmem:s31], [sflag:$0x9], $0x80, s4, s29, $0xb8;
	[tilespmem:$0x1EE60] =	vst v63  }
0x172: {  	s10 =	simm.s32 $0x1E460  }
0x173: {  	[spmem:s21] =	stream.indirect.scatter.add.f32 [tilespmem:s10], [sflag:$0xA], $0x20, s4, s29, $0xb8;
	[tilespmem:$0x1EE60] =	vst v63  }
0x174: {  	_ =	swait.ge [sflag:s26], $0x2800  }
0x175: {  	[sflag:s26] =	ssyncset.done $0x0  }
0x176: {  	s11 =	smin.u32 s23, $0x75;
	[sflag:s26] =	ssyncadd.s32 $0xFFFFD800  }
0x177: {  	s15 =	smul.u32 $0x50, s11;
	_ =	swait.ge [sflag:s30], $0xA00  }
0x178: {  	p1 =	sne.s32 s20, $0x78;
	s22 =	sadd.s32 $0x140, s22;
	s13 =	rddreg [dreg:$0xb]  }
0x179: {  	s20 =	sadd.s32 $0x4, s20;
	s0 =	simm.s32 $0x18A10;
	s15 =	sadd.s32 s15, s13  }
.Ltmp0:
0x17a: {  	[sflag:s30] =	ssyncset.done $0x0;
	s15 =	sshrl.u32 s15, $0x3;
	(pc) =	sbr.rel @p1 .LBB2_2-.Ltmp0, $4  }
0x17b: {  	s24 =	simm.s32 $0x18A60;
	[sflag:s30] =	ssyncadd.s32 $0xFFFFF600;
	s21 =	sadd.s32 s9, s15  }
0x17c: {  	[tilespmem:s5], [sflag:$0x4] =	stream.linear.gather [hbm4b:s21+s8], $0x50, $0x38;
	[tilespmem:$0x1EE60] =	vst v63  }
0x17d: {  	s3 =	simm.s32 $0x1DA60;
	s28 =	sadd.s32 s17, s15;
	s23 =	sadd.s32 s1, s15  }
0x17e: {  	[tilespmem:s4], [sflag:$0x4] =	stream.linear.gather [hbm4b:s28+s8], $0x50, $0x38;
	[tilespmem:$0x1EE60] =	vst v63  }
0x17f: {  	[tilespmem:s0], [sflag:$0x4] =	stream.linear.gather [hbm4b:s23+s8], $0x50, $0x38;
	[tilespmem:$0x1EE60] =	vst v63  }
0x180: {  	_ =	swait.ge [sflag:s12], $0x50  }
0x181: {  	[sflag:s12] =	ssyncset.done $0x0  }
0x182: {  	[sflag:s12] =	ssyncadd.s32 $0xFFFFFFB0  }
0x183: {  	_ =	swait.ge [sflag:s12], $0x50  }
0x184: {  	[sflag:s12] =	ssyncset.done $0x0  }
0x185: {  	[sflag:s12] =	ssyncadd.s32 $0xFFFFFFB0  }
0x186: {  	_ =	swait.ge [sflag:s12], $0x50  }
0x187: {  	[sflag:s12] =	ssyncset.done $0x0  }
0x188: {  	[sflag:s12] =	ssyncadd.s32 $0xFFFFFFB0  }
0x189: {  	_ =	swait.ge [sflag:s14], $0x50  }
0x18a: {  	[sflag:s14] =	ssyncset.done $0x0  }
0x18b: {  	[sflag:s14] =	ssyncadd.s32 $0xFFFFFFB0  }
0x18c: {  	_ =	swait.ge [sflag:s14], $0x50  }
0x18d: {  	[sflag:s14] =	ssyncset.done $0x0  }
0x18e: {  	[sflag:s14] =	ssyncadd.s32 $0xFFFFFFB0  }
0x18f: {  	_ =	swait.ge [sflag:s14], $0x50  }
0x190: {  	[sflag:s14] =	ssyncset.done $0x0  }
0x191: {  	[sflag:s14] =	ssyncadd.s32 $0xFFFFFFB0  }
0x192: {  	_ =	swait.ge [sflag:s19], $0x50  }
0x193: {  	[sflag:s19] =	ssyncset.done $0x0  }
0x194: {  	[sflag:s19] =	ssyncadd.s32 $0xFFFFFFB0  }
0x195: {  	_ =	swait.ge [sflag:s19], $0x50  }
0x196: {  	[sflag:s19] =	ssyncset.done $0x0  }
0x197: {  	[sflag:s19] =	ssyncadd.s32 $0xFFFFFFB0  }
0x198: {  	_ =	swait.ge [sflag:s19], $0x50  }
0x199: {  	[sflag:s19] =	ssyncset.done $0x0  }
0x19a: {  	s13 =	simm.s32 $0x5;
	[sflag:s19] =	ssyncadd.s32 $0xFFFFFFB0  }
0x19b: {  	_ =	swait.ge [sflag:s13], $0x2800  }
0x19c: {  	[sflag:s13] =	ssyncset.done $0x0  }
0x19d: {  	s15 =	simm.s32 $0x7;
	[sflag:s13] =	ssyncadd.s32 $0xFFFFD800  }
0x19e: {  	_ =	swait.ge [sflag:s15], $0xA00  }
0x19f: {  	[sflag:s15] =	ssyncset.done $0x0  }
0x1a0: {  	[sflag:s15] =	ssyncadd.s32 $0xFFFFF600  }
0x1a1: {  	s15 =	simm.s32 $0x186F0;
	s0 =	rddreg [dreg:$0x6]  }
0x1a2: {  	[spmem:s0] =	stream.indirect.scatter.add.f32 [tilespmem:s24], [sflag:$0x9], $0x80, s15, s29, $0xb8;
	[tilespmem:$0x1EE60] =	vst v63  }
0x1a3: {  	s17 =	rddreg [dreg:$0x7]  }
0x1a4: {  	[spmem:s17] =	stream.indirect.scatter.add.f32 [tilespmem:s3], [sflag:$0xA], $0x20, s15, s29, $0xb8;
	[tilespmem:$0x1EE60] =	vst v63  }
0x1a5: {  	_ =	swait.ge [sflag:s26], $0x2800  }
0x1a6: {  	[sflag:s26] =	ssyncset.done $0x0  }
0x1a7: {  	[sflag:s26] =	ssyncadd.s32 $0xFFFFD800  }
0x1a8: {  	_ =	swait.ge [sflag:s30], $0xA00  }
0x1a9: {  	[sflag:s30] =	ssyncset.done $0x0  }
0x1aa: {  	[sflag:s30] =	ssyncadd.s32 $0xFFFFF600  }
0x1ab: {  	[bflag:$0x0] =	sbarrier.arrive $0xFFFF  }
0x1ac: {  	s23 =	sld [smem:$0x7FD]  }
0x1ad: {  	s21 =	sld [smem:$0x7F4];
	_ =	sdelay $0x1  }
0x1ae: {  	s2 =	simm.s32 $0xB;
	s20 =	rddreg [dreg:$0x13]  }
0x1af: {  	[hbm:s20], [sflag:s23] =	dma.local [spmem:s21], $0x2700  }
0x1b0: {  	_ =	swait.ge [sflag:s2], $0x2700  }
0x1b1: {  	s24 =	sld [smem:$0x7F5]  }
0x1b2: {  	[sflag:s2] =	ssyncset.done $0x0  }
0x1b3: {  	s22 =	rddreg [dreg:$0x14];
	[sflag:s2] =	ssyncadd.s32 $0xFFFFD900  }
0x1b4: {  	[hbm:s22], [sflag:s23] =	dma.local [spmem:s24], $0x9C0  }
0x1b5: {  	_ =	swait.ge [sflag:s2], $0x9C0  }
0x1b6: {  	s0 =	sld [smem:$0x7F6]  }
0x1b7: {  	[sflag:s2] =	ssyncset.done $0x0  }
0x1b8: {  	s15 =	rddreg [dreg:$0x15];
	[sflag:s2] =	ssyncadd.s32 $0xFFFFF640  }
0x1b9: {  	[hbm:s15], [sflag:s23] =	dma.local @!p0 [spmem:s0], $0x100  }
0x1ba: {  	s15 =	simm.s32 @!p0 $0xB  }
0x1bb: {  	_ =	swait.ge @!p0 [sflag:s15], $0x100  }
0x1bc: {  	s0 =	sld [smem:$0x7F7]  }
0x1bd: {  	[sflag:s15] =	ssyncset.done @!p0 $0x0  }
0x1be: {  	s20 =	rddreg [dreg:$0x16];
	[sflag:s15] =	ssyncadd.s32 @!p0 $0xFFFFFF00  }
0x1bf: {  	[hbm:s20], [sflag:s23] =	dma.local @!p0 [spmem:s0], $0x40  }
0x1c0: {  	_ =	swait.ge @!p0 [sflag:s15], $0x40  }
0x1c1: {  	s25 =	sld [smem:$0x7F3]  }
0x1c2: {  	s28 =	sld [smem:$0x7F9];
	_ =	sdelay $0x1  }
0x1c3: {  	s0 =	sadd.s32 $0x1, s25  }
0x1c4: {  	p1 =	sne.s32 s0, s28  }
.Ltmp1:
0x1c5: {  	_ = 	snop;
	(pc) =	sbr.rel @p1 .LBB2_1-.Ltmp1, $3  }
0x1c6: {  	_ =	sdelay $0x1  }
0x1c7: {  	[sflag:s15] =	ssyncset.done @!p0 $0x0  }
0x1c8: {  	s22 =	simm.s32 $0x18790;
	s20 =	simm.s32 $0x186A0;
	[sflag:s15] =	ssyncadd.s32 @!p0 $0xFFFFFFC0  }
0x1c9: {  	_ =	sfence.sel $0x180000  }
0x1ca: {  	[bflag:$0x0] =	sbarrier.arrive $0xFFFF  }
0x1cb: {  	_ =	strace $0x90000047  }
0x1cc: {  	s0 =	stileid.u32;
	[bflag:$0x2] =	sbarrier.arrive $0xFFFF  }
0x1cd: {  	p0 =	sne.s32 s0, $0x0;
	s0 =	rddreg [dreg:$0x8]  }
0x1ce: {  	s0 =	sadd.s32 @!p0 $0x100000, s0  }
0x1cf: {  	[sflag:s0] =	ssyncadd.tile.s32 @!p0 $0x1;
	_ =	shalt  }
.Lfunc_end2:
_tile_overlayer_lowered:
.L_overlay_start_2:
0x1d0: {  	(tag) =	ssettag $0x2  }
0x1d1: {  	s0 =	rddreg [dreg:$0x0];
	s2 =	stileid.u32  }
0x1d2: {  	s1 =	rddreg [dreg:$0x1];
	p0 =	sne.s32 s2, $0x0  }
0x1d3: {  	s3 =	rddreg [dreg:$0x2];
	[bflag:$0x3] =	sbarrier.arrive $0xFFFF;
	s2 =	simm.s32 @!p0 $0x1C0B  }
0x1d4: {  	[timem:s3], [sflag:s2] =	dma.local @!p0 [hbm:s0], s1  }
0x1d5: {  	s0 =	simm.s32 @!p0 $0xB  }
0x1d6: {  	_ =	swait.ge @!p0 [sflag:s0], s1  }
0x1d7: {  	s1 =	ssub.s32 @!p0 $0x0, s1;
	[sflag:s0] =	ssyncset.done @!p0 $0x0  }
0x1d8: {  	[sflag:s0] =	ssyncadd.s32 @!p0 s1  }
0x1d9: {  	[bflag:$0x3] =	sbarrier.arrive $0xFFFF  }
0x1da: {  	_ =	shalt  }

</sc_bundles>
